<compile_context>
chip_gen: v7x
topology: tpu7x:2x2x1
jax: 0.10.2.dev20260603
libtpu: 0.0.44.dev20260713+nightly
codegen_flags: <defaults>
</compile_context>

<pallas_src>
import functools

import jax
import jax.numpy as jnp
from jax import lax
from jax.experimental import pallas as pl
from jax.experimental.pallas import tpu as pltpu
from jax.experimental.pallas import tpu_sc as plsc

N = 10000
F = 128
E = 320000
OUT = 128
NFLAT = N * F

NSUB = 16
EPT = E // NSUB
CH = 128
NCHF = EPT // CH
TAIL = EPT - NCHF * CH
WPT = NFLAT // NSUB
ZCH = 8000

NBLK = 10
BLK = N // NBLK


def _sc_body(xall, srcs, dsts, out, src_v, dst_v, gidx0, sidx0, w0,
             gidx1, sidx1, w1, gidxt, sidxt, wt, z_v, bsp, sem0, sem1):
    g = lax.axis_index("c")
    t = lax.axis_index("s")

    eb = g * E + t * EPT
    pltpu.sync_copy(srcs.at[pl.ds(eb, EPT)], src_v)
    pltpu.sync_copy(dsts.at[pl.ds(eb, EPT)], dst_v)

    def zinit(i, c):
        z_v[pl.ds(i * 16, 16)] = jnp.zeros((16,), jnp.float32)
        return c
    lax.fori_loop(0, ZCH // 16, zinit, 0)

    def zcp(i, c):
        pltpu.sync_copy(z_v, bsp.at[pl.ds(t * WPT + i * ZCH, ZCH)])
        return c
    lax.fori_loop(0, WPT // ZCH, zcp, 0)

    plsc.subcore_barrier()

    xoff = g * NFLAT

    def fill(c, n16, gidx, sidx):
        cb = c * CH
        for v in range(n16):
            s16 = src_v[pl.ds(cb + v * 16, 16)]
            d16 = dst_v[pl.ds(cb + v * 16, 16)]
            si = s16 * F + d16
            sidx[pl.ds(v * 16, 16)] = si
            gidx[pl.ds(v * 16, 16)] = si + xoff

    fill(0, CH // 16, gidx0, sidx0)
    pltpu.async_copy(xall.at[gidx0], w0, sem0)

    def pipe(i, c):
        a = 2 * i
        fill(a + 1, CH // 16, gidx1, sidx1)
        pltpu.async_copy(xall.at[gidx1], w1, sem1)
        pltpu.make_async_copy(xall.at[gidx0], w0, sem0).wait()
        pltpu.sync_copy(w0, bsp.at[sidx0], add=True)
        fill(a + 2, CH // 16, gidx0, sidx0)
        pltpu.async_copy(xall.at[gidx0], w0, sem0)
        pltpu.make_async_copy(xall.at[gidx1], w1, sem1).wait()
        pltpu.sync_copy(w1, bsp.at[sidx1], add=True)
        return c
    lax.fori_loop(0, NCHF // 2 - 1, pipe, 0)

    fill(NCHF - 1, CH // 16, gidx1, sidx1)
    pltpu.async_copy(xall.at[gidx1], w1, sem1)
    pltpu.make_async_copy(xall.at[gidx0], w0, sem0).wait()
    pltpu.sync_copy(w0, bsp.at[sidx0], add=True)
    fill(NCHF, TAIL // 16, gidxt, sidxt)
    pltpu.async_copy(xall.at[gidxt], wt, sem0)
    pltpu.make_async_copy(xall.at[gidx1], w1, sem1).wait()
    pltpu.sync_copy(w1, bsp.at[sidx1], add=True)
    pltpu.make_async_copy(xall.at[gidxt], wt, sem0).wait()
    pltpu.sync_copy(wt, bsp.at[sidxt], add=True)

    plsc.subcore_barrier()

    def wcp(i, c):
        off = t * WPT + i * ZCH
        pltpu.sync_copy(bsp.at[pl.ds(off, ZCH)], z_v)
        pltpu.sync_copy(z_v, out.at[pl.ds(g * NFLAT + off, ZCH)])
        return c
    lax.fori_loop(0, WPT // ZCH, wcp, 0)


def _sc_build(xall_flat, srcs, dsts):
    mesh = plsc.VectorSubcoreMesh(core_axis_name="c", subcore_axis_name="s")
    fn = functools.partial(
        pl.kernel,
        _sc_body,
        mesh=mesh,
        out_type=jax.ShapeDtypeStruct((2 * NFLAT,), jnp.float32),
        scratch_types=[
            pltpu.VMEM((EPT,), jnp.int32),
            pltpu.VMEM((EPT,), jnp.int32),
            pltpu.VMEM((CH,), jnp.int32),
            pltpu.VMEM((CH,), jnp.int32),
            pltpu.VMEM((CH,), jnp.float32),
            pltpu.VMEM((CH,), jnp.int32),
            pltpu.VMEM((CH,), jnp.int32),
            pltpu.VMEM((CH,), jnp.float32),
            pltpu.VMEM((TAIL,), jnp.int32),
            pltpu.VMEM((TAIL,), jnp.int32),
            pltpu.VMEM((TAIL,), jnp.float32),
            pltpu.VMEM((ZCH,), jnp.float32),
            pltpu.VMEM_SHARED((NFLAT,), jnp.float32),
            pltpu.SemaphoreType.DMA,
            pltpu.SemaphoreType.DMA,
        ],
    )()
    return fn(xall_flat, srcs, dsts)


def _tc_body(x_ref, bt_ref, w_ref, bias_ref, o_ref, accU, accD):
    j = pl.program_id(1)

    @pl.when(j == 0)
    def _():
        accU[...] = jnp.zeros_like(accU)
        accD[...] = jnp.zeros_like(accD)

    x = x_ref[...]
    Bt = bt_ref[...]
    W = w_ref[0]
    bias = bias_ref[0]

    h = jnp.dot(x, W, preferred_element_type=jnp.float32)
    Uc = lax.dot_general(Bt, h, (((0,), (0,)), ((), ())),
                         preferred_element_type=jnp.float32)
    dc = lax.dot_general(Bt, jnp.ones((BLK, 1), jnp.float32),
                         (((0,), (0,)), ((), ())),
                         preferred_element_type=jnp.float32)
    o_ref[...] = jnp.maximum(h + bias, 0.0)

    @pl.when(j < NBLK - 1)
    def _():
        accU[...] += Uc
        accD[...] += dc

    @pl.when(j == NBLK - 1)
    def _():
        deg = accD[...] + dc + 1.0
        dis = lax.rsqrt(deg)
        h0 = h[0:F, :]
        B00 = Bt[0:F, :]
        U = accU[...] + Uc + lax.dot_general(
            B00, (dis - 1.0) * h0, (((0,), (0,)), ((), ())),
            preferred_element_type=jnp.float32)
        o_ref[0:F, :] = jnp.maximum(dis * U + (dis * dis) * h0 + bias,
                                    0.0)


def _tc_apply(x2, Bt2, Ws, biases):
    def pj(j):
        return (j + 1) % NBLK

    return pl.pallas_call(
        _tc_body,
        grid=(2, NBLK),
        in_specs=[
            pl.BlockSpec((BLK, F), lambda g, j: (g * NBLK + pj(j), 0)),
            pl.BlockSpec((BLK, F), lambda g, j: (g * NBLK + pj(j), 0)),
            pl.BlockSpec((1, F, OUT), lambda g, j: (g, 0, 0)),
            pl.BlockSpec((1, 1, OUT), lambda g, j: (g, 0, 0)),
        ],
        out_specs=pl.BlockSpec((BLK, OUT), lambda g, j: (g * NBLK + pj(j), 0)),
        out_shape=jax.ShapeDtypeStruct((2 * N, OUT), jnp.float32),
        scratch_shapes=[
            pltpu.VMEM((F, OUT), jnp.float32),
            pltpu.VMEM((F, 1), jnp.float32),
        ],
    )(x2, Bt2, Ws, biases)


def kernel(cell_feat, drug_feat, cell_edge, drug_edge, W1, b1, W2, b2):
    srcs = jnp.concatenate([cell_edge[0], drug_edge[0]]).astype(jnp.int32)
    dsts = jnp.concatenate([cell_edge[1], drug_edge[1]]).astype(jnp.int32)
    xall = jnp.concatenate([cell_feat.reshape(-1), drug_feat.reshape(-1)])
    bflat = _sc_build(xall, srcs, dsts)
    Bt2 = bflat.reshape(2 * N, F)
    Ws = jnp.stack([W1, W2])
    biases = jnp.stack([b1.reshape(1, OUT), b2.reshape(1, OUT)])
    out = _tc_apply(xall.reshape(2 * N, F), Bt2, Ws, biases)
    return out[:N], out[N:]

# --- scband reference (transcript-rebuilt; emitter-appended) ---
"""Pipeline reference for scband-gencoder-25984552141076 (READ-ONLY COPY).

The authoritative reference and input builder live on the scoring server;
editing this copy changes nothing except your own understanding.
"""

import jax, jax.numpy as jnp
import numpy as np

N_CELL = 10000
F_CELL = 128
E_CELL = 320000
N_DRUG = 10000
F_DRUG = 128
E_DRUG = 320000
OUT = 128  # layer_size[1]


def setup_inputs(seed: int = 0) -> dict:
    key = jax.random.key(seed)
    ks = jax.random.split(key, 10)
    # Feature matrices: original code treats nonzero entries as edge weights,
    # so use uniform [0,1) (positive) fills.
    cell_feat = jax.random.uniform(ks[0], (N_CELL, F_CELL), dtype=jnp.float32)
    drug_feat = jax.random.uniform(ks[1], (N_DRUG, F_DRUG), dtype=jnp.float32)
    # Edges derived (in the original) from nonzeros of the feature matrix:
    # row 0 (src) indexes rows in [0, N), row 1 (dst) indexes columns in [0, F).
    cell_src = jax.random.randint(ks[2], (E_CELL,), 0, N_CELL)
    cell_dst = jax.random.randint(ks[3], (E_CELL,), 0, F_CELL)
    cell_edge = jnp.stack([cell_src, cell_dst], axis=0)
    drug_src = jax.random.randint(ks[4], (E_DRUG,), 0, N_DRUG)
    drug_dst = jax.random.randint(ks[5], (E_DRUG,), 0, F_DRUG)
    drug_edge = jnp.stack([drug_src, drug_dst], axis=0)
    # GCNConv parameters (glorot-style init)
    s1 = float(np.sqrt(2.0 / (F_CELL + OUT)))
    W1 = jax.random.normal(ks[6], (F_CELL, OUT), dtype=jnp.float32) * s1
    b1 = jnp.zeros((OUT,), dtype=jnp.float32)
    s2 = float(np.sqrt(2.0 / (F_DRUG + OUT)))
    W2 = jax.random.normal(ks[7], (F_DRUG, OUT), dtype=jnp.float32) * s2
    b2 = jnp.zeros((OUT,), dtype=jnp.float32)
    return {"cell_feat": cell_feat, "drug_feat": drug_feat,
            "cell_edge": cell_edge, "drug_edge": drug_edge,
            "W1": W1, "b1": b1, "W2": W2, "b2": b2}


def gcn_conv(x, edge_index, edge_weight, W, b):
    # Faithful PyG GCNConv: add self-loops (weight 1), symmetric normalization
    # with edge weights, linear transform, scatter-add aggregation, bias.
    N = x.shape[0]
    src = edge_index[0]
    dst = edge_index[1]
    loop = jnp.arange(N, dtype=src.dtype)
    src = jnp.concatenate([src, loop], axis=0)
    dst = jnp.concatenate([dst, loop], axis=0)
    w = jnp.concatenate([edge_weight, jnp.ones((N,), dtype=x.dtype)], axis=0)
    deg = jnp.zeros((N,), dtype=x.dtype).at[dst].add(w)
    deg_inv_sqrt = jnp.where(deg > 0, jax.lax.rsqrt(jnp.maximum(deg, 1e-12)), 0.0)
    norm = deg_inv_sqrt[src] * w * deg_inv_sqrt[dst]
    h = x @ W
    msg = jnp.take(h, src, axis=0) * norm[:, None]
    out = jnp.zeros((N, W.shape[1]), dtype=x.dtype).at[dst].add(msg)
    return out + b


def reference(cell_feat, drug_feat, cell_edge, drug_edge, W1, b1, W2, b2):
    # Edge weights gathered from the feature matrix, as in the original forward:
    #   self.cell_feat[self.cell_edge[0], self.cell_edge[1]]
    ew_cell = cell_feat[cell_edge[0], cell_edge[1]]
    ew_drug = drug_feat[drug_edge[0], drug_edge[1]]
    cell_gcn = jax.nn.relu(gcn_conv(cell_feat, cell_edge, ew_cell, W1, b1))
    drug_gcn = jax.nn.relu(gcn_conv(drug_feat, drug_edge, ew_drug, W2, b2))
    return (cell_gcn, drug_gcn)

if __name__ == "__main__":
    import jax
    _d = setup_inputs()
    print(jax.jit(kernel)(*tuple(_d.values())))

</pallas_src>

<mosaic_0001>
#map = affine_map<(d0, d1) -> (0)>
module attributes {stable_mosaic.version = 14 : i64} {
  func.func @_sc_body(%arg0: i32, %arg1: i32, %arg2: memref<2560000xf32, #tpu.memory_space<hbm>>, %arg3: memref<640000xi32, #tpu.memory_space<hbm>>, %arg4: memref<640000xi32, #tpu.memory_space<hbm>>, %arg5: memref<2560000xf32, #tpu.memory_space<hbm>>, %arg6: memref<20000xi32, #tpu.memory_space<vmem>>, %arg7: memref<20000xi32, #tpu.memory_space<vmem>>, %arg8: memref<128xi32, #tpu.memory_space<vmem>>, %arg9: memref<128xi32, #tpu.memory_space<vmem>>, %arg10: memref<128xf32, #tpu.memory_space<vmem>>, %arg11: memref<128xi32, #tpu.memory_space<vmem>>, %arg12: memref<128xi32, #tpu.memory_space<vmem>>, %arg13: memref<128xf32, #tpu.memory_space<vmem>>, %arg14: memref<32xi32, #tpu.memory_space<vmem>>, %arg15: memref<32xi32, #tpu.memory_space<vmem>>, %arg16: memref<32xf32, #tpu.memory_space<vmem>>, %arg17: memref<8000xf32, #tpu.memory_space<vmem>>, %arg18: memref<1280000xf32, #tpu.memory_space<vmem_shared>>, %arg19: memref<!tpu.dma_semaphore, #tpu.memory_space<semaphore_mem>>, %arg20: memref<!tpu.dma_semaphore, #tpu.memory_space<semaphore_mem>>) attributes {dimension_semantics = [#tpu.dimension_semantics<core_parallel>, #tpu.dimension_semantics<subcore_parallel>], iteration_bounds = array<i64: 2, 16>, scalar_prefetch = 0 : i64, scratch_operands = 15 : i64, tpu.core_type = #tpu.core_type<sc_vector_subcore>, window_params = [{transform_indices = #map}, {transform_indices = #map}, {transform_indices = #map}, {transform_indices = #map}]} {
    %mul3A = arith.constant 320000 : i32
    %mul3A_0 = arith.muli %arg0, %mul3A : i32
    %mul3A_1 = arith.constant 20000 : i32
    %mul3A_2 = arith.muli %arg1, %mul3A_1 : i32
    %add3A = arith.addi %mul3A_0, %mul3A_2 : i32
    "tpu.region"() ({
      %run_scoped3A = tpu.sem_alloc : memref<!tpu.dma_semaphore, #tpu.memory_space<semaphore_mem>>
      %dma_start3A_397 = tpu.memref_slice %arg3[%add3A] : memref<640000xi32, #tpu.memory_space<hbm>> -> memref<20000xi32, #tpu.memory_space<hbm>>
      %dma_start3A_398 = tpu.memref_slice %arg3[%add3A] : memref<640000xi32, #tpu.memory_space<hbm>> -> memref<20000xi32, #tpu.memory_space<hbm>>
      tpu.enqueue_dma source(%dma_start3A_398 : memref<20000xi32, #tpu.memory_space<hbm>>) target(%arg6 : memref<20000xi32, #tpu.memory_space<vmem>>) target_semaphore(%run_scoped3A : memref<!tpu.dma_semaphore, #tpu.memory_space<semaphore_mem>>)
      %dma_wait3A_399 = tpu.memref_slice %arg3[%add3A] : memref<640000xi32, #tpu.memory_space<hbm>> -> memref<20000xi32, #tpu.memory_space<hbm>>
      %dma_wait3A_400 = tpu.memref_slice %arg3[%add3A] : memref<640000xi32, #tpu.memory_space<hbm>> -> memref<20000xi32, #tpu.memory_space<hbm>>
      tpu.wait_dma2 semaphore(%run_scoped3A : memref<!tpu.dma_semaphore, #tpu.memory_space<semaphore_mem>>) src(%dma_wait3A_400 : memref<20000xi32, #tpu.memory_space<hbm>>) dst(%arg6 : memref<20000xi32, #tpu.memory_space<vmem>>)
      tpu.yield
    }) : () -> ()
    "tpu.region"() ({
      %run_scoped3A = tpu.sem_alloc : memref<!tpu.dma_semaphore, #tpu.memory_space<semaphore_mem>>
      %dma_start3A_397 = tpu.memref_slice %arg4[%add3A] : memref<640000xi32, #tpu.memory_space<hbm>> -> memref<20000xi32, #tpu.memory_space<hbm>>
      %dma_start3A_398 = tpu.memref_slice %arg4[%add3A] : memref<640000xi32, #tpu.memory_space<hbm>> -> memref<20000xi32, #tpu.memory_space<hbm>>
      tpu.enqueue_dma source(%dma_start3A_398 : memref<20000xi32, #tpu.memory_space<hbm>>) target(%arg7 : memref<20000xi32, #tpu.memory_space<vmem>>) target_semaphore(%run_scoped3A : memref<!tpu.dma_semaphore, #tpu.memory_space<semaphore_mem>>)
      %dma_wait3A_399 = tpu.memref_slice %arg4[%add3A] : memref<640000xi32, #tpu.memory_space<hbm>> -> memref<20000xi32, #tpu.memory_space<hbm>>
      %dma_wait3A_400 = tpu.memref_slice %arg4[%add3A] : memref<640000xi32, #tpu.memory_space<hbm>> -> memref<20000xi32, #tpu.memory_space<hbm>>
      tpu.wait_dma2 semaphore(%run_scoped3A : memref<!tpu.dma_semaphore, #tpu.memory_space<semaphore_mem>>) src(%dma_wait3A_400 : memref<20000xi32, #tpu.memory_space<hbm>>) dst(%arg7 : memref<20000xi32, #tpu.memory_space<vmem>>)
      tpu.yield
    }) : () -> ()
    %scan3A = arith.constant 0 : i32
    %scan3A_3 = arith.constant 0 : i32
    %scan3A_4 = arith.constant 500 : i32
    %scan3A_5 = arith.addi %scan3A_3, %scan3A_4 : i32
    %scan3A_6 = arith.constant 1 : i32
    scf.for %scan3A_397 = %scan3A_3 to %scan3A_5 step %scan3A_6  : i32 {
      %broadcast_in_dim3A = arith.constant 0.000000e+00 : f32
      %broadcast_in_dim3A_398 = vector.broadcast %broadcast_in_dim3A : f32 to vector<16xf32>
      %mul3A_399 = arith.constant 16 : i32
      %mul3A_400 = arith.muli %scan3A_397, %mul3A_399 : i32
      %swap3A_401 = arith.index_cast %mul3A_400 : i32 to index
      %swap3A_402 = tpu.vector_load %arg17[%swap3A_401] {strides = array<i32>} : memref<8000xf32, #tpu.memory_space<vmem>>, vector<16xf32>,
      %swap3A_403 = vector.shape_cast %swap3A_402 : vector<16xf32> to vector<16xf32>
      %swap3A_404 = vector.shape_cast %broadcast_in_dim3A_398 : vector<16xf32> to vector<16xf32>
      tpu.vector_store %arg17[%swap3A_401], %swap3A_404 {strides = array<i32>} : memref<8000xf32, #tpu.memory_space<vmem>>, vector<16xf32>,
    }
    %scan3A_7 = arith.constant 500 : i32
    %scan3A_8 = arith.constant 0 : i32
    %scan3A_9 = arith.constant 0 : i32
    %scan3A_10 = arith.constant 10 : i32
    %scan3A_11 = arith.addi %scan3A_9, %scan3A_10 : i32
    %scan3A_12 = arith.constant 1 : i32
    scf.for %scan3A_397 = %scan3A_9 to %scan3A_11 step %scan3A_12  : i32 {
      %mul3A_398 = arith.constant 80000 : i32
      %mul3A_399 = arith.muli %arg1, %mul3A_398 : i32
      %mul3A_400 = arith.constant 8000 : i32
      %mul3A_401 = arith.muli %scan3A_397, %mul3A_400 : i32
      %add3A_402 = arith.addi %mul3A_399, %mul3A_401 : i32
      "tpu.region"() ({
        %run_scoped3A = tpu.sem_alloc : memref<!tpu.dma_semaphore, #tpu.memory_space<semaphore_mem>>
        %dma_start3A_403 = tpu.memref_slice %arg18[%add3A_402] : memref<1280000xf32, #tpu.memory_space<vmem_shared>> -> memref<8000xf32, #tpu.memory_space<vmem_shared>>
        %dma_start3A_404 = tpu.memref_slice %arg18[%add3A_402] : memref<1280000xf32, #tpu.memory_space<vmem_shared>> -> memref<8000xf32, #tpu.memory_space<vmem_shared>>
        tpu.enqueue_dma source(%arg17 : memref<8000xf32, #tpu.memory_space<vmem>>) target(%dma_start3A_404 : memref<8000xf32, #tpu.memory_space<vmem_shared>>) target_semaphore(%run_scoped3A : memref<!tpu.dma_semaphore, #tpu.memory_space<semaphore_mem>>)
        %dma_wait3A_405 = tpu.memref_slice %arg18[%add3A_402] : memref<1280000xf32, #tpu.memory_space<vmem_shared>> -> memref<8000xf32, #tpu.memory_space<vmem_shared>>
        %dma_wait3A_406 = tpu.memref_slice %arg18[%add3A_402] : memref<1280000xf32, #tpu.memory_space<vmem_shared>> -> memref<8000xf32, #tpu.memory_space<vmem_shared>>
        tpu.wait_dma2 semaphore(%run_scoped3A : memref<!tpu.dma_semaphore, #tpu.memory_space<semaphore_mem>>) src(%arg17 : memref<8000xf32, #tpu.memory_space<vmem>>) dst(%dma_wait3A_406 : memref<8000xf32, #tpu.memory_space<vmem_shared>>)
        tpu.yield
      }) : () -> ()
    }
    %scan3A_13 = arith.constant 10 : i32
    %barrier3A = arith.constant 0 : index
    tpu.barrier barrier_id(%barrier3A)
    %mul3A_14 = arith.constant 1280000 : i32
    %mul3A_15 = arith.muli %arg0, %mul3A_14 : i32
    %get3A = arith.constant 0 : index
    %get3A_16 = tpu.vector_load %arg6[%get3A] {strides = array<i32>} : memref<20000xi32, #tpu.memory_space<vmem>>, vector<16xi32>,
    %get3A_17 = vector.shape_cast %get3A_16 : vector<16xi32> to vector<16xi32>
    %get3A_18 = arith.constant 0 : index
    %get3A_19 = tpu.vector_load %arg7[%get3A_18] {strides = array<i32>} : memref<20000xi32, #tpu.memory_space<vmem>>, vector<16xi32>,
    %get3A_20 = vector.shape_cast %get3A_19 : vector<16xi32> to vector<16xi32>
    %mul3A_21 = arith.constant 128 : i32
    %mul3A_22 = vector.broadcast %mul3A_21 : i32 to vector<16xi32>
    %mul3A_23 = arith.muli %get3A_17, %mul3A_22 : vector<16xi32>
    %add3A_24 = arith.addi %mul3A_23, %get3A_20 : vector<16xi32>
    %swap3A = arith.constant 0 : index
    %swap3A_25 = tpu.vector_load %arg9[%swap3A] {strides = array<i32>} : memref<128xi32, #tpu.memory_space<vmem>>, vector<16xi32>,
    %swap3A_26 = vector.shape_cast %swap3A_25 : vector<16xi32> to vector<16xi32>
    %swap3A_27 = vector.shape_cast %add3A_24 : vector<16xi32> to vector<16xi32>
    tpu.vector_store %arg9[%swap3A], %swap3A_27 {strides = array<i32>} : memref<128xi32, #tpu.memory_space<vmem>>, vector<16xi32>,
    %add3A_28 = vector.broadcast %mul3A_15 : i32 to vector<16xi32>
    %add3A_29 = arith.addi %add3A_24, %add3A_28 : vector<16xi32>
    %swap3A_30 = arith.constant 0 : index
    %swap3A_31 = tpu.vector_load %arg8[%swap3A_30] {strides = array<i32>} : memref<128xi32, #tpu.memory_space<vmem>>, vector<16xi32>,
    %swap3A_32 = vector.shape_cast %swap3A_31 : vector<16xi32> to vector<16xi32>
    %swap3A_33 = vector.shape_cast %add3A_29 : vector<16xi32> to vector<16xi32>
    tpu.vector_store %arg8[%swap3A_30], %swap3A_33 {strides = array<i32>} : memref<128xi32, #tpu.memory_space<vmem>>, vector<16xi32>,
    %get3A_34 = arith.constant 16 : index
    %get3A_35 = tpu.vector_load %arg6[%get3A_34] {strides = array<i32>} : memref<20000xi32, #tpu.memory_space<vmem>>, vector<16xi32>,
    %get3A_36 = vector.shape_cast %get3A_35 : vector<16xi32> to vector<16xi32>
    %get3A_37 = arith.constant 16 : index
    %get3A_38 = tpu.vector_load %arg7[%get3A_37] {strides = array<i32>} : memref<20000xi32, #tpu.memory_space<vmem>>, vector<16xi32>,
    %get3A_39 = vector.shape_cast %get3A_38 : vector<16xi32> to vector<16xi32>
    %mul3A_40 = arith.constant 128 : i32
    %mul3A_41 = vector.broadcast %mul3A_40 : i32 to vector<16xi32>
    %mul3A_42 = arith.muli %get3A_36, %mul3A_41 : vector<16xi32>
    %add3A_43 = arith.addi %mul3A_42, %get3A_39 : vector<16xi32>
    %swap3A_44 = arith.constant 16 : index
    %swap3A_45 = tpu.vector_load %arg9[%swap3A_44] {strides = array<i32>} : memref<128xi32, #tpu.memory_space<vmem>>, vector<16xi32>,
    %swap3A_46 = vector.shape_cast %swap3A_45 : vector<16xi32> to vector<16xi32>
    %swap3A_47 = vector.shape_cast %add3A_43 : vector<16xi32> to vector<16xi32>
    tpu.vector_store %arg9[%swap3A_44], %swap3A_47 {strides = array<i32>} : memref<128xi32, #tpu.memory_space<vmem>>, vector<16xi32>,
    %add3A_48 = vector.broadcast %mul3A_15 : i32 to vector<16xi32>
    %add3A_49 = arith.addi %add3A_43, %add3A_48 : vector<16xi32>
    %swap3A_50 = arith.constant 16 : index
    %swap3A_51 = tpu.vector_load %arg8[%swap3A_50] {strides = array<i32>} : memref<128xi32, #tpu.memory_space<vmem>>, vector<16xi32>,
    %swap3A_52 = vector.shape_cast %swap3A_51 : vector<16xi32> to vector<16xi32>
    %swap3A_53 = vector.shape_cast %add3A_49 : vector<16xi32> to vector<16xi32>
    tpu.vector_store %arg8[%swap3A_50], %swap3A_53 {strides = array<i32>} : memref<128xi32, #tpu.memory_space<vmem>>, vector<16xi32>,
    %get3A_54 = arith.constant 32 : index
    %get3A_55 = tpu.vector_load %arg6[%get3A_54] {strides = array<i32>} : memref<20000xi32, #tpu.memory_space<vmem>>, vector<16xi32>,
    %get3A_56 = vector.shape_cast %get3A_55 : vector<16xi32> to vector<16xi32>
    %get3A_57 = arith.constant 32 : index
    %get3A_58 = tpu.vector_load %arg7[%get3A_57] {strides = array<i32>} : memref<20000xi32, #tpu.memory_space<vmem>>, vector<16xi32>,
    %get3A_59 = vector.shape_cast %get3A_58 : vector<16xi32> to vector<16xi32>
    %mul3A_60 = arith.constant 128 : i32
    %mul3A_61 = vector.broadcast %mul3A_60 : i32 to vector<16xi32>
    %mul3A_62 = arith.muli %get3A_56, %mul3A_61 : vector<16xi32>
    %add3A_63 = arith.addi %mul3A_62, %get3A_59 : vector<16xi32>
    %swap3A_64 = arith.constant 32 : index
    %swap3A_65 = tpu.vector_load %arg9[%swap3A_64] {strides = array<i32>} : memref<128xi32, #tpu.memory_space<vmem>>, vector<16xi32>,
    %swap3A_66 = vector.shape_cast %swap3A_65 : vector<16xi32> to vector<16xi32>
    %swap3A_67 = vector.shape_cast %add3A_63 : vector<16xi32> to vector<16xi32>
    tpu.vector_store %arg9[%swap3A_64], %swap3A_67 {strides = array<i32>} : memref<128xi32, #tpu.memory_space<vmem>>, vector<16xi32>,
    %add3A_68 = vector.broadcast %mul3A_15 : i32 to vector<16xi32>
    %add3A_69 = arith.addi %add3A_63, %add3A_68 : vector<16xi32>
    %swap3A_70 = arith.constant 32 : index
    %swap3A_71 = tpu.vector_load %arg8[%swap3A_70] {strides = array<i32>} : memref<128xi32, #tpu.memory_space<vmem>>, vector<16xi32>,
    %swap3A_72 = vector.shape_cast %swap3A_71 : vector<16xi32> to vector<16xi32>
    %swap3A_73 = vector.shape_cast %add3A_69 : vector<16xi32> to vector<16xi32>
    tpu.vector_store %arg8[%swap3A_70], %swap3A_73 {strides = array<i32>} : memref<128xi32, #tpu.memory_space<vmem>>, vector<16xi32>,
    %get3A_74 = arith.constant 48 : index
    %get3A_75 = tpu.vector_load %arg6[%get3A_74] {strides = array<i32>} : memref<20000xi32, #tpu.memory_space<vmem>>, vector<16xi32>,
    %get3A_76 = vector.shape_cast %get3A_75 : vector<16xi32> to vector<16xi32>
    %get3A_77 = arith.constant 48 : index
    %get3A_78 = tpu.vector_load %arg7[%get3A_77] {strides = array<i32>} : memref<20000xi32, #tpu.memory_space<vmem>>, vector<16xi32>,
    %get3A_79 = vector.shape_cast %get3A_78 : vector<16xi32> to vector<16xi32>
    %mul3A_80 = arith.constant 128 : i32
    %mul3A_81 = vector.broadcast %mul3A_80 : i32 to vector<16xi32>
    %mul3A_82 = arith.muli %get3A_76, %mul3A_81 : vector<16xi32>
    %add3A_83 = arith.addi %mul3A_82, %get3A_79 : vector<16xi32>
    %swap3A_84 = arith.constant 48 : index
    %swap3A_85 = tpu.vector_load %arg9[%swap3A_84] {strides = array<i32>} : memref<128xi32, #tpu.memory_space<vmem>>, vector<16xi32>,
    %swap3A_86 = vector.shape_cast %swap3A_85 : vector<16xi32> to vector<16xi32>
    %swap3A_87 = vector.shape_cast %add3A_83 : vector<16xi32> to vector<16xi32>
    tpu.vector_store %arg9[%swap3A_84], %swap3A_87 {strides = array<i32>} : memref<128xi32, #tpu.memory_space<vmem>>, vector<16xi32>,
    %add3A_88 = vector.broadcast %mul3A_15 : i32 to vector<16xi32>
    %add3A_89 = arith.addi %add3A_83, %add3A_88 : vector<16xi32>
    %swap3A_90 = arith.constant 48 : index
    %swap3A_91 = tpu.vector_load %arg8[%swap3A_90] {strides = array<i32>} : memref<128xi32, #tpu.memory_space<vmem>>, vector<16xi32>,
    %swap3A_92 = vector.shape_cast %swap3A_91 : vector<16xi32> to vector<16xi32>
    %swap3A_93 = vector.shape_cast %add3A_89 : vector<16xi32> to vector<16xi32>
    tpu.vector_store %arg8[%swap3A_90], %swap3A_93 {strides = array<i32>} : memref<128xi32, #tpu.memory_space<vmem>>, vector<16xi32>,
    %get3A_94 = arith.constant 64 : index
    %get3A_95 = tpu.vector_load %arg6[%get3A_94] {strides = array<i32>} : memref<20000xi32, #tpu.memory_space<vmem>>, vector<16xi32>,
    %get3A_96 = vector.shape_cast %get3A_95 : vector<16xi32> to vector<16xi32>
    %get3A_97 = arith.constant 64 : index
    %get3A_98 = tpu.vector_load %arg7[%get3A_97] {strides = array<i32>} : memref<20000xi32, #tpu.memory_space<vmem>>, vector<16xi32>,
    %get3A_99 = vector.shape_cast %get3A_98 : vector<16xi32> to vector<16xi32>
    %mul3A_100 = arith.constant 128 : i32
    %mul3A_101 = vector.broadcast %mul3A_100 : i32 to vector<16xi32>
    %mul3A_102 = arith.muli %get3A_96, %mul3A_101 : vector<16xi32>
    %add3A_103 = arith.addi %mul3A_102, %get3A_99 : vector<16xi32>
    %swap3A_104 = arith.constant 64 : index
    %swap3A_105 = tpu.vector_load %arg9[%swap3A_104] {strides = array<i32>} : memref<128xi32, #tpu.memory_space<vmem>>, vector<16xi32>,
    %swap3A_106 = vector.shape_cast %swap3A_105 : vector<16xi32> to vector<16xi32>
    %swap3A_107 = vector.shape_cast %add3A_103 : vector<16xi32> to vector<16xi32>
    tpu.vector_store %arg9[%swap3A_104], %swap3A_107 {strides = array<i32>} : memref<128xi32, #tpu.memory_space<vmem>>, vector<16xi32>,
    %add3A_108 = vector.broadcast %mul3A_15 : i32 to vector<16xi32>
    %add3A_109 = arith.addi %add3A_103, %add3A_108 : vector<16xi32>
    %swap3A_110 = arith.constant 64 : index
    %swap3A_111 = tpu.vector_load %arg8[%swap3A_110] {strides = array<i32>} : memref<128xi32, #tpu.memory_space<vmem>>, vector<16xi32>,
    %swap3A_112 = vector.shape_cast %swap3A_111 : vector<16xi32> to vector<16xi32>
    %swap3A_113 = vector.shape_cast %add3A_109 : vector<16xi32> to vector<16xi32>
    tpu.vector_store %arg8[%swap3A_110], %swap3A_113 {strides = array<i32>} : memref<128xi32, #tpu.memory_space<vmem>>, vector<16xi32>,
    %get3A_114 = arith.constant 80 : index
    %get3A_115 = tpu.vector_load %arg6[%get3A_114] {strides = array<i32>} : memref<20000xi32, #tpu.memory_space<vmem>>, vector<16xi32>,
    %get3A_116 = vector.shape_cast %get3A_115 : vector<16xi32> to vector<16xi32>
    %get3A_117 = arith.constant 80 : index
    %get3A_118 = tpu.vector_load %arg7[%get3A_117] {strides = array<i32>} : memref<20000xi32, #tpu.memory_space<vmem>>, vector<16xi32>,
    %get3A_119 = vector.shape_cast %get3A_118 : vector<16xi32> to vector<16xi32>
    %mul3A_120 = arith.constant 128 : i32
    %mul3A_121 = vector.broadcast %mul3A_120 : i32 to vector<16xi32>
    %mul3A_122 = arith.muli %get3A_116, %mul3A_121 : vector<16xi32>
    %add3A_123 = arith.addi %mul3A_122, %get3A_119 : vector<16xi32>
    %swap3A_124 = arith.constant 80 : index
    %swap3A_125 = tpu.vector_load %arg9[%swap3A_124] {strides = array<i32>} : memref<128xi32, #tpu.memory_space<vmem>>, vector<16xi32>,
    %swap3A_126 = vector.shape_cast %swap3A_125 : vector<16xi32> to vector<16xi32>
    %swap3A_127 = vector.shape_cast %add3A_123 : vector<16xi32> to vector<16xi32>
    tpu.vector_store %arg9[%swap3A_124], %swap3A_127 {strides = array<i32>} : memref<128xi32, #tpu.memory_space<vmem>>, vector<16xi32>,
    %add3A_128 = vector.broadcast %mul3A_15 : i32 to vector<16xi32>
    %add3A_129 = arith.addi %add3A_123, %add3A_128 : vector<16xi32>
    %swap3A_130 = arith.constant 80 : index
    %swap3A_131 = tpu.vector_load %arg8[%swap3A_130] {strides = array<i32>} : memref<128xi32, #tpu.memory_space<vmem>>, vector<16xi32>,
    %swap3A_132 = vector.shape_cast %swap3A_131 : vector<16xi32> to vector<16xi32>
    %swap3A_133 = vector.shape_cast %add3A_129 : vector<16xi32> to vector<16xi32>
    tpu.vector_store %arg8[%swap3A_130], %swap3A_133 {strides = array<i32>} : memref<128xi32, #tpu.memory_space<vmem>>, vector<16xi32>,
    %get3A_134 = arith.constant 96 : index
    %get3A_135 = tpu.vector_load %arg6[%get3A_134] {strides = array<i32>} : memref<20000xi32, #tpu.memory_space<vmem>>, vector<16xi32>,
    %get3A_136 = vector.shape_cast %get3A_135 : vector<16xi32> to vector<16xi32>
    %get3A_137 = arith.constant 96 : index
    %get3A_138 = tpu.vector_load %arg7[%get3A_137] {strides = array<i32>} : memref<20000xi32, #tpu.memory_space<vmem>>, vector<16xi32>,
    %get3A_139 = vector.shape_cast %get3A_138 : vector<16xi32> to vector<16xi32>
    %mul3A_140 = arith.constant 128 : i32
    %mul3A_141 = vector.broadcast %mul3A_140 : i32 to vector<16xi32>
    %mul3A_142 = arith.muli %get3A_136, %mul3A_141 : vector<16xi32>
    %add3A_143 = arith.addi %mul3A_142, %get3A_139 : vector<16xi32>
    %swap3A_144 = arith.constant 96 : index
    %swap3A_145 = tpu.vector_load %arg9[%swap3A_144] {strides = array<i32>} : memref<128xi32, #tpu.memory_space<vmem>>, vector<16xi32>,
    %swap3A_146 = vector.shape_cast %swap3A_145 : vector<16xi32> to vector<16xi32>
    %swap3A_147 = vector.shape_cast %add3A_143 : vector<16xi32> to vector<16xi32>
    tpu.vector_store %arg9[%swap3A_144], %swap3A_147 {strides = array<i32>} : memref<128xi32, #tpu.memory_space<vmem>>, vector<16xi32>,
    %add3A_148 = vector.broadcast %mul3A_15 : i32 to vector<16xi32>
    %add3A_149 = arith.addi %add3A_143, %add3A_148 : vector<16xi32>
    %swap3A_150 = arith.constant 96 : index
    %swap3A_151 = tpu.vector_load %arg8[%swap3A_150] {strides = array<i32>} : memref<128xi32, #tpu.memory_space<vmem>>, vector<16xi32>,
    %swap3A_152 = vector.shape_cast %swap3A_151 : vector<16xi32> to vector<16xi32>
    %swap3A_153 = vector.shape_cast %add3A_149 : vector<16xi32> to vector<16xi32>
    tpu.vector_store %arg8[%swap3A_150], %swap3A_153 {strides = array<i32>} : memref<128xi32, #tpu.memory_space<vmem>>, vector<16xi32>,
    %get3A_154 = arith.constant 112 : index
    %get3A_155 = tpu.vector_load %arg6[%get3A_154] {strides = array<i32>} : memref<20000xi32, #tpu.memory_space<vmem>>, vector<16xi32>,
    %get3A_156 = vector.shape_cast %get3A_155 : vector<16xi32> to vector<16xi32>
    %get3A_157 = arith.constant 112 : index
    %get3A_158 = tpu.vector_load %arg7[%get3A_157] {strides = array<i32>} : memref<20000xi32, #tpu.memory_space<vmem>>, vector<16xi32>,
    %get3A_159 = vector.shape_cast %get3A_158 : vector<16xi32> to vector<16xi32>
    %mul3A_160 = arith.constant 128 : i32
    %mul3A_161 = vector.broadcast %mul3A_160 : i32 to vector<16xi32>
    %mul3A_162 = arith.muli %get3A_156, %mul3A_161 : vector<16xi32>
    %add3A_163 = arith.addi %mul3A_162, %get3A_159 : vector<16xi32>
    %swap3A_164 = arith.constant 112 : index
    %swap3A_165 = tpu.vector_load %arg9[%swap3A_164] {strides = array<i32>} : memref<128xi32, #tpu.memory_space<vmem>>, vector<16xi32>,
    %swap3A_166 = vector.shape_cast %swap3A_165 : vector<16xi32> to vector<16xi32>
    %swap3A_167 = vector.shape_cast %add3A_163 : vector<16xi32> to vector<16xi32>
    tpu.vector_store %arg9[%swap3A_164], %swap3A_167 {strides = array<i32>} : memref<128xi32, #tpu.memory_space<vmem>>, vector<16xi32>,
    %add3A_168 = vector.broadcast %mul3A_15 : i32 to vector<16xi32>
    %add3A_169 = arith.addi %add3A_163, %add3A_168 : vector<16xi32>
    %swap3A_170 = arith.constant 112 : index
    %swap3A_171 = tpu.vector_load %arg8[%swap3A_170] {strides = array<i32>} : memref<128xi32, #tpu.memory_space<vmem>>, vector<16xi32>,
    %swap3A_172 = vector.shape_cast %swap3A_171 : vector<16xi32> to vector<16xi32>
    %swap3A_173 = vector.shape_cast %add3A_169 : vector<16xi32> to vector<16xi32>
    tpu.vector_store %arg8[%swap3A_170], %swap3A_173 {strides = array<i32>} : memref<128xi32, #tpu.memory_space<vmem>>, vector<16xi32>,
    %dma_start3A = arith.constant 0 : i32
    %dma_start3A_174 = tpu.memref_slice %arg2[%dma_start3A] : memref<2560000xf32, #tpu.memory_space<hbm>> -> memref<2560000xf32, #tpu.memory_space<hbm>>
    tpu.enqueue_indirect_dma source(%dma_start3A_174 : memref<2560000xf32, #tpu.memory_space<hbm>>) target(%arg10 : memref<128xf32, #tpu.memory_space<vmem>>) offsets(%arg8 : memref<128xi32, #tpu.memory_space<vmem>>) semaphore(%arg19 : memref<!tpu.dma_semaphore, #tpu.memory_space<semaphore_mem>>)
    %scan3A_175 = arith.constant 0 : i32
    %scan3A_176 = arith.constant 0 : i32
    %scan3A_177 = arith.constant 77 : i32
    %scan3A_178 = arith.addi %scan3A_176, %scan3A_177 : i32
    %scan3A_179 = arith.constant 1 : i32
    scf.for %scan3A_397 = %scan3A_176 to %scan3A_178 step %scan3A_179  : i32 {
      %mul3A_398 = arith.constant 2 : i32
      %mul3A_399 = arith.muli %mul3A_398, %scan3A_397 : i32
      %add3A_400 = arith.constant 1 : i32
      %add3A_401 = arith.addi %mul3A_399, %add3A_400 : i32
      %mul3A_402 = arith.constant 128 : i32
      %mul3A_403 = arith.muli %add3A_401, %mul3A_402 : i32
      %add3A_404 = arith.constant 0 : i32
      %add3A_405 = arith.addi %mul3A_403, %add3A_404 : i32
      %get3A_406 = arith.index_cast %add3A_405 : i32 to index
      %get3A_407 = tpu.vector_load %arg6[%get3A_406] {strides = array<i32>} : memref<20000xi32, #tpu.memory_space<vmem>>, vector<16xi32>,
      %get3A_408 = vector.shape_cast %get3A_407 : vector<16xi32> to vector<16xi32>
      %add3A_409 = arith.constant 0 : i32
      %add3A_410 = arith.addi %mul3A_403, %add3A_409 : i32
      %get3A_411 = arith.index_cast %add3A_410 : i32 to index
      %get3A_412 = tpu.vector_load %arg7[%get3A_411] {strides = array<i32>} : memref<20000xi32, #tpu.memory_space<vmem>>, vector<16xi32>,
      %get3A_413 = vector.shape_cast %get3A_412 : vector<16xi32> to vector<16xi32>
      %mul3A_414 = arith.constant 128 : i32
      %mul3A_415 = vector.broadcast %mul3A_414 : i32 to vector<16xi32>
      %mul3A_416 = arith.muli %get3A_408, %mul3A_415 : vector<16xi32>
      %add3A_417 = arith.addi %mul3A_416, %get3A_413 : vector<16xi32>
      %swap3A_418 = arith.constant 0 : index
      %swap3A_419 = tpu.vector_load %arg12[%swap3A_418] {strides = array<i32>} : memref<128xi32, #tpu.memory_space<vmem>>, vector<16xi32>,
      %swap3A_420 = vector.shape_cast %swap3A_419 : vector<16xi32> to vector<16xi32>
      %swap3A_421 = vector.shape_cast %add3A_417 : vector<16xi32> to vector<16xi32>
      tpu.vector_store %arg12[%swap3A_418], %swap3A_421 {strides = array<i32>} : memref<128xi32, #tpu.memory_space<vmem>>, vector<16xi32>,
      %add3A_422 = vector.broadcast %mul3A_15 : i32 to vector<16xi32>
      %add3A_423 = arith.addi %add3A_417, %add3A_422 : vector<16xi32>
      %swap3A_424 = arith.constant 0 : index
      %swap3A_425 = tpu.vector_load %arg11[%swap3A_424] {strides = array<i32>} : memref<128xi32, #tpu.memory_space<vmem>>, vector<16xi32>,
      %swap3A_426 = vector.shape_cast %swap3A_425 : vector<16xi32> to vector<16xi32>
      %swap3A_427 = vector.shape_cast %add3A_423 : vector<16xi32> to vector<16xi32>
      tpu.vector_store %arg11[%swap3A_424], %swap3A_427 {strides = array<i32>} : memref<128xi32, #tpu.memory_space<vmem>>, vector<16xi32>,
      %add3A_428 = arith.constant 16 : i32
      %add3A_429 = arith.addi %mul3A_403, %add3A_428 : i32
      %get3A_430 = arith.index_cast %add3A_429 : i32 to index
      %get3A_431 = tpu.vector_load %arg6[%get3A_430] {strides = array<i32>} : memref<20000xi32, #tpu.memory_space<vmem>>, vector<16xi32>,
      %get3A_432 = vector.shape_cast %get3A_431 : vector<16xi32> to vector<16xi32>
      %add3A_433 = arith.constant 16 : i32
      %add3A_434 = arith.addi %mul3A_403, %add3A_433 : i32
      %get3A_435 = arith.index_cast %add3A_434 : i32 to index
      %get3A_436 = tpu.vector_load %arg7[%get3A_435] {strides = array<i32>} : memref<20000xi32, #tpu.memory_space<vmem>>, vector<16xi32>,
      %get3A_437 = vector.shape_cast %get3A_436 : vector<16xi32> to vector<16xi32>
      %mul3A_438 = arith.constant 128 : i32
      %mul3A_439 = vector.broadcast %mul3A_438 : i32 to vector<16xi32>
      %mul3A_440 = arith.muli %get3A_432, %mul3A_439 : vector<16xi32>
      %add3A_441 = arith.addi %mul3A_440, %get3A_437 : vector<16xi32>
      %swap3A_442 = arith.constant 16 : index
      %swap3A_443 = tpu.vector_load %arg12[%swap3A_442] {strides = array<i32>} : memref<128xi32, #tpu.memory_space<vmem>>, vector<16xi32>,
      %swap3A_444 = vector.shape_cast %swap3A_443 : vector<16xi32> to vector<16xi32>
      %swap3A_445 = vector.shape_cast %add3A_441 : vector<16xi32> to vector<16xi32>
      tpu.vector_store %arg12[%swap3A_442], %swap3A_445 {strides = array<i32>} : memref<128xi32, #tpu.memory_space<vmem>>, vector<16xi32>,
      %add3A_446 = vector.broadcast %mul3A_15 : i32 to vector<16xi32>
      %add3A_447 = arith.addi %add3A_441, %add3A_446 : vector<16xi32>
      %swap3A_448 = arith.constant 16 : index
      %swap3A_449 = tpu.vector_load %arg11[%swap3A_448] {strides = array<i32>} : memref<128xi32, #tpu.memory_space<vmem>>, vector<16xi32>,
      %swap3A_450 = vector.shape_cast %swap3A_449 : vector<16xi32> to vector<16xi32>
      %swap3A_451 = vector.shape_cast %add3A_447 : vector<16xi32> to vector<16xi32>
      tpu.vector_store %arg11[%swap3A_448], %swap3A_451 {strides = array<i32>} : memref<128xi32, #tpu.memory_space<vmem>>, vector<16xi32>,
      %add3A_452 = arith.constant 32 : i32
      %add3A_453 = arith.addi %mul3A_403, %add3A_452 : i32
      %get3A_454 = arith.index_cast %add3A_453 : i32 to index
      %get3A_455 = tpu.vector_load %arg6[%get3A_454] {strides = array<i32>} : memref<20000xi32, #tpu.memory_space<vmem>>, vector<16xi32>,
      %get3A_456 = vector.shape_cast %get3A_455 : vector<16xi32> to vector<16xi32>
      %add3A_457 = arith.constant 32 : i32
      %add3A_458 = arith.addi %mul3A_403, %add3A_457 : i32
      %get3A_459 = arith.index_cast %add3A_458 : i32 to index
      %get3A_460 = tpu.vector_load %arg7[%get3A_459] {strides = array<i32>} : memref<20000xi32, #tpu.memory_space<vmem>>, vector<16xi32>,
      %get3A_461 = vector.shape_cast %get3A_460 : vector<16xi32> to vector<16xi32>
      %mul3A_462 = arith.constant 128 : i32
      %mul3A_463 = vector.broadcast %mul3A_462 : i32 to vector<16xi32>
      %mul3A_464 = arith.muli %get3A_456, %mul3A_463 : vector<16xi32>
      %add3A_465 = arith.addi %mul3A_464, %get3A_461 : vector<16xi32>
      %swap3A_466 = arith.constant 32 : index
      %swap3A_467 = tpu.vector_load %arg12[%swap3A_466] {strides = array<i32>} : memref<128xi32, #tpu.memory_space<vmem>>, vector<16xi32>,
      %swap3A_468 = vector.shape_cast %swap3A_467 : vector<16xi32> to vector<16xi32>
      %swap3A_469 = vector.shape_cast %add3A_465 : vector<16xi32> to vector<16xi32>
      tpu.vector_store %arg12[%swap3A_466], %swap3A_469 {strides = array<i32>} : memref<128xi32, #tpu.memory_space<vmem>>, vector<16xi32>,
      %add3A_470 = vector.broadcast %mul3A_15 : i32 to vector<16xi32>
      %add3A_471 = arith.addi %add3A_465, %add3A_470 : vector<16xi32>
      %swap3A_472 = arith.constant 32 : index
      %swap3A_473 = tpu.vector_load %arg11[%swap3A_472] {strides = array<i32>} : memref<128xi32, #tpu.memory_space<vmem>>, vector<16xi32>,
      %swap3A_474 = vector.shape_cast %swap3A_473 : vector<16xi32> to vector<16xi32>
      %swap3A_475 = vector.shape_cast %add3A_471 : vector<16xi32> to vector<16xi32>
      tpu.vector_store %arg11[%swap3A_472], %swap3A_475 {strides = array<i32>} : memref<128xi32, #tpu.memory_space<vmem>>, vector<16xi32>,
      %add3A_476 = arith.constant 48 : i32
      %add3A_477 = arith.addi %mul3A_403, %add3A_476 : i32
      %get3A_478 = arith.index_cast %add3A_477 : i32 to index
      %get3A_479 = tpu.vector_load %arg6[%get3A_478] {strides = array<i32>} : memref<20000xi32, #tpu.memory_space<vmem>>, vector<16xi32>,
      %get3A_480 = vector.shape_cast %get3A_479 : vector<16xi32> to vector<16xi32>
      %add3A_481 = arith.constant 48 : i32
      %add3A_482 = arith.addi %mul3A_403, %add3A_481 : i32
      %get3A_483 = arith.index_cast %add3A_482 : i32 to index
      %get3A_484 = tpu.vector_load %arg7[%get3A_483] {strides = array<i32>} : memref<20000xi32, #tpu.memory_space<vmem>>, vector<16xi32>,
      %get3A_485 = vector.shape_cast %get3A_484 : vector<16xi32> to vector<16xi32>
      %mul3A_486 = arith.constant 128 : i32
      %mul3A_487 = vector.broadcast %mul3A_486 : i32 to vector<16xi32>
      %mul3A_488 = arith.muli %get3A_480, %mul3A_487 : vector<16xi32>
      %add3A_489 = arith.addi %mul3A_488, %get3A_485 : vector<16xi32>
      %swap3A_490 = arith.constant 48 : index
      %swap3A_491 = tpu.vector_load %arg12[%swap3A_490] {strides = array<i32>} : memref<128xi32, #tpu.memory_space<vmem>>, vector<16xi32>,
      %swap3A_492 = vector.shape_cast %swap3A_491 : vector<16xi32> to vector<16xi32>
      %swap3A_493 = vector.shape_cast %add3A_489 : vector<16xi32> to vector<16xi32>
      tpu.vector_store %arg12[%swap3A_490], %swap3A_493 {strides = array<i32>} : memref<128xi32, #tpu.memory_space<vmem>>, vector<16xi32>,
      %add3A_494 = vector.broadcast %mul3A_15 : i32 to vector<16xi32>
      %add3A_495 = arith.addi %add3A_489, %add3A_494 : vector<16xi32>
      %swap3A_496 = arith.constant 48 : index
      %swap3A_497 = tpu.vector_load %arg11[%swap3A_496] {strides = array<i32>} : memref<128xi32, #tpu.memory_space<vmem>>, vector<16xi32>,
      %swap3A_498 = vector.shape_cast %swap3A_497 : vector<16xi32> to vector<16xi32>
      %swap3A_499 = vector.shape_cast %add3A_495 : vector<16xi32> to vector<16xi32>
      tpu.vector_store %arg11[%swap3A_496], %swap3A_499 {strides = array<i32>} : memref<128xi32, #tpu.memory_space<vmem>>, vector<16xi32>,
      %add3A_500 = arith.constant 64 : i32
      %add3A_501 = arith.addi %mul3A_403, %add3A_500 : i32
      %get3A_502 = arith.index_cast %add3A_501 : i32 to index
      %get3A_503 = tpu.vector_load %arg6[%get3A_502] {strides = array<i32>} : memref<20000xi32, #tpu.memory_space<vmem>>, vector<16xi32>,
      %get3A_504 = vector.shape_cast %get3A_503 : vector<16xi32> to vector<16xi32>
      %add3A_505 = arith.constant 64 : i32
      %add3A_506 = arith.addi %mul3A_403, %add3A_505 : i32
      %get3A_507 = arith.index_cast %add3A_506 : i32 to index
      %get3A_508 = tpu.vector_load %arg7[%get3A_507] {strides = array<i32>} : memref<20000xi32, #tpu.memory_space<vmem>>, vector<16xi32>,
      %get3A_509 = vector.shape_cast %get3A_508 : vector<16xi32> to vector<16xi32>
      %mul3A_510 = arith.constant 128 : i32
      %mul3A_511 = vector.broadcast %mul3A_510 : i32 to vector<16xi32>
      %mul3A_512 = arith.muli %get3A_504, %mul3A_511 : vector<16xi32>
      %add3A_513 = arith.addi %mul3A_512, %get3A_509 : vector<16xi32>
      %swap3A_514 = arith.constant 64 : index
      %swap3A_515 = tpu.vector_load %arg12[%swap3A_514] {strides = array<i32>} : memref<128xi32, #tpu.memory_space<vmem>>, vector<16xi32>,
      %swap3A_516 = vector.shape_cast %swap3A_515 : vector<16xi32> to vector<16xi32>
      %swap3A_517 = vector.shape_cast %add3A_513 : vector<16xi32> to vector<16xi32>
      tpu.vector_store %arg12[%swap3A_514], %swap3A_517 {strides = array<i32>} : memref<128xi32, #tpu.memory_space<vmem>>, vector<16xi32>,
      %add3A_518 = vector.broadcast %mul3A_15 : i32 to vector<16xi32>
      %add3A_519 = arith.addi %add3A_513, %add3A_518 : vector<16xi32>
      %swap3A_520 = arith.constant 64 : index
      %swap3A_521 = tpu.vector_load %arg11[%swap3A_520] {strides = array<i32>} : memref<128xi32, #tpu.memory_space<vmem>>, vector<16xi32>,
      %swap3A_522 = vector.shape_cast %swap3A_521 : vector<16xi32> to vector<16xi32>
      %swap3A_523 = vector.shape_cast %add3A_519 : vector<16xi32> to vector<16xi32>
      tpu.vector_store %arg11[%swap3A_520], %swap3A_523 {strides = array<i32>} : memref<128xi32, #tpu.memory_space<vmem>>, vector<16xi32>,
      %add3A_524 = arith.constant 80 : i32
      %add3A_525 = arith.addi %mul3A_403, %add3A_524 : i32
      %get3A_526 = arith.index_cast %add3A_525 : i32 to index
      %get3A_527 = tpu.vector_load %arg6[%get3A_526] {strides = array<i32>} : memref<20000xi32, #tpu.memory_space<vmem>>, vector<16xi32>,
      %get3A_528 = vector.shape_cast %get3A_527 : vector<16xi32> to vector<16xi32>
      %add3A_529 = arith.constant 80 : i32
      %add3A_530 = arith.addi %mul3A_403, %add3A_529 : i32
      %get3A_531 = arith.index_cast %add3A_530 : i32 to index
      %get3A_532 = tpu.vector_load %arg7[%get3A_531] {strides = array<i32>} : memref<20000xi32, #tpu.memory_space<vmem>>, vector<16xi32>,
      %get3A_533 = vector.shape_cast %get3A_532 : vector<16xi32> to vector<16xi32>
      %mul3A_534 = arith.constant 128 : i32
      %mul3A_535 = vector.broadcast %mul3A_534 : i32 to vector<16xi32>
      %mul3A_536 = arith.muli %get3A_528, %mul3A_535 : vector<16xi32>
      %add3A_537 = arith.addi %mul3A_536, %get3A_533 : vector<16xi32>
      %swap3A_538 = arith.constant 80 : index
      %swap3A_539 = tpu.vector_load %arg12[%swap3A_538] {strides = array<i32>} : memref<128xi32, #tpu.memory_space<vmem>>, vector<16xi32>,
      %swap3A_540 = vector.shape_cast %swap3A_539 : vector<16xi32> to vector<16xi32>
      %swap3A_541 = vector.shape_cast %add3A_537 : vector<16xi32> to vector<16xi32>
      tpu.vector_store %arg12[%swap3A_538], %swap3A_541 {strides = array<i32>} : memref<128xi32, #tpu.memory_space<vmem>>, vector<16xi32>,
      %add3A_542 = vector.broadcast %mul3A_15 : i32 to vector<16xi32>
      %add3A_543 = arith.addi %add3A_537, %add3A_542 : vector<16xi32>
      %swap3A_544 = arith.constant 80 : index
      %swap3A_545 = tpu.vector_load %arg11[%swap3A_544] {strides = array<i32>} : memref<128xi32, #tpu.memory_space<vmem>>, vector<16xi32>,
      %swap3A_546 = vector.shape_cast %swap3A_545 : vector<16xi32> to vector<16xi32>
      %swap3A_547 = vector.shape_cast %add3A_543 : vector<16xi32> to vector<16xi32>
      tpu.vector_store %arg11[%swap3A_544], %swap3A_547 {strides = array<i32>} : memref<128xi32, #tpu.memory_space<vmem>>, vector<16xi32>,
      %add3A_548 = arith.constant 96 : i32
      %add3A_549 = arith.addi %mul3A_403, %add3A_548 : i32
      %get3A_550 = arith.index_cast %add3A_549 : i32 to index
      %get3A_551 = tpu.vector_load %arg6[%get3A_550] {strides = array<i32>} : memref<20000xi32, #tpu.memory_space<vmem>>, vector<16xi32>,
      %get3A_552 = vector.shape_cast %get3A_551 : vector<16xi32> to vector<16xi32>
      %add3A_553 = arith.constant 96 : i32
      %add3A_554 = arith.addi %mul3A_403, %add3A_553 : i32
      %get3A_555 = arith.index_cast %add3A_554 : i32 to index
      %get3A_556 = tpu.vector_load %arg7[%get3A_555] {strides = array<i32>} : memref<20000xi32, #tpu.memory_space<vmem>>, vector<16xi32>,
      %get3A_557 = vector.shape_cast %get3A_556 : vector<16xi32> to vector<16xi32>
      %mul3A_558 = arith.constant 128 : i32
      %mul3A_559 = vector.broadcast %mul3A_558 : i32 to vector<16xi32>
      %mul3A_560 = arith.muli %get3A_552, %mul3A_559 : vector<16xi32>
      %add3A_561 = arith.addi %mul3A_560, %get3A_557 : vector<16xi32>
      %swap3A_562 = arith.constant 96 : index
      %swap3A_563 = tpu.vector_load %arg12[%swap3A_562] {strides = array<i32>} : memref<128xi32, #tpu.memory_space<vmem>>, vector<16xi32>,
      %swap3A_564 = vector.shape_cast %swap3A_563 : vector<16xi32> to vector<16xi32>
      %swap3A_565 = vector.shape_cast %add3A_561 : vector<16xi32> to vector<16xi32>
      tpu.vector_store %arg12[%swap3A_562], %swap3A_565 {strides = array<i32>} : memref<128xi32, #tpu.memory_space<vmem>>, vector<16xi32>,
      %add3A_566 = vector.broadcast %mul3A_15 : i32 to vector<16xi32>
      %add3A_567 = arith.addi %add3A_561, %add3A_566 : vector<16xi32>
      %swap3A_568 = arith.constant 96 : index
      %swap3A_569 = tpu.vector_load %arg11[%swap3A_568] {strides = array<i32>} : memref<128xi32, #tpu.memory_space<vmem>>, vector<16xi32>,
      %swap3A_570 = vector.shape_cast %swap3A_569 : vector<16xi32> to vector<16xi32>
      %swap3A_571 = vector.shape_cast %add3A_567 : vector<16xi32> to vector<16xi32>
      tpu.vector_store %arg11[%swap3A_568], %swap3A_571 {strides = array<i32>} : memref<128xi32, #tpu.memory_space<vmem>>, vector<16xi32>,
      %add3A_572 = arith.constant 112 : i32
      %add3A_573 = arith.addi %mul3A_403, %add3A_572 : i32
      %get3A_574 = arith.index_cast %add3A_573 : i32 to index
      %get3A_575 = tpu.vector_load %arg6[%get3A_574] {strides = array<i32>} : memref<20000xi32, #tpu.memory_space<vmem>>, vector<16xi32>,
      %get3A_576 = vector.shape_cast %get3A_575 : vector<16xi32> to vector<16xi32>
      %add3A_577 = arith.constant 112 : i32
      %add3A_578 = arith.addi %mul3A_403, %add3A_577 : i32
      %get3A_579 = arith.index_cast %add3A_578 : i32 to index
      %get3A_580 = tpu.vector_load %arg7[%get3A_579] {strides = array<i32>} : memref<20000xi32, #tpu.memory_space<vmem>>, vector<16xi32>,
      %get3A_581 = vector.shape_cast %get3A_580 : vector<16xi32> to vector<16xi32>
      %mul3A_582 = arith.constant 128 : i32
      %mul3A_583 = vector.broadcast %mul3A_582 : i32 to vector<16xi32>
      %mul3A_584 = arith.muli %get3A_576, %mul3A_583 : vector<16xi32>
      %add3A_585 = arith.addi %mul3A_584, %get3A_581 : vector<16xi32>
      %swap3A_586 = arith.constant 112 : index
      %swap3A_587 = tpu.vector_load %arg12[%swap3A_586] {strides = array<i32>} : memref<128xi32, #tpu.memory_space<vmem>>, vector<16xi32>,
      %swap3A_588 = vector.shape_cast %swap3A_587 : vector<16xi32> to vector<16xi32>
      %swap3A_589 = vector.shape_cast %add3A_585 : vector<16xi32> to vector<16xi32>
      tpu.vector_store %arg12[%swap3A_586], %swap3A_589 {strides = array<i32>} : memref<128xi32, #tpu.memory_space<vmem>>, vector<16xi32>,
      %add3A_590 = vector.broadcast %mul3A_15 : i32 to vector<16xi32>
      %add3A_591 = arith.addi %add3A_585, %add3A_590 : vector<16xi32>
      %swap3A_592 = arith.constant 112 : index
      %swap3A_593 = tpu.vector_load %arg11[%swap3A_592] {strides = array<i32>} : memref<128xi32, #tpu.memory_space<vmem>>, vector<16xi32>,
      %swap3A_594 = vector.shape_cast %swap3A_593 : vector<16xi32> to vector<16xi32>
      %swap3A_595 = vector.shape_cast %add3A_591 : vector<16xi32> to vector<16xi32>
      tpu.vector_store %arg11[%swap3A_592], %swap3A_595 {strides = array<i32>} : memref<128xi32, #tpu.memory_space<vmem>>, vector<16xi32>,
      %dma_start3A_596 = arith.constant 0 : i32
      %dma_start3A_597 = tpu.memref_slice %arg2[%dma_start3A_596] : memref<2560000xf32, #tpu.memory_space<hbm>> -> memref<2560000xf32, #tpu.memory_space<hbm>>
      tpu.enqueue_indirect_dma source(%dma_start3A_597 : memref<2560000xf32, #tpu.memory_space<hbm>>) target(%arg13 : memref<128xf32, #tpu.memory_space<vmem>>) offsets(%arg11 : memref<128xi32, #tpu.memory_space<vmem>>) semaphore(%arg20 : memref<!tpu.dma_semaphore, #tpu.memory_space<semaphore_mem>>)
      %dma_wait3A_598 = arith.constant 0 : i32
      %dma_wait3A_599 = tpu.memref_slice %arg2[%dma_wait3A_598] : memref<2560000xf32, #tpu.memory_space<hbm>> -> memref<2560000xf32, #tpu.memory_space<hbm>>
      tpu.wait_indirect_dma semaphore(%arg19 : memref<!tpu.dma_semaphore, #tpu.memory_space<semaphore_mem>>) src(%dma_wait3A_599 : memref<2560000xf32, #tpu.memory_space<hbm>>) dst(%arg10 : memref<128xf32, #tpu.memory_space<vmem>>)
      "tpu.region"() ({
        %run_scoped3A = tpu.sem_alloc : memref<!tpu.dma_semaphore, #tpu.memory_space<semaphore_mem>>
        %dma_start3A_800 = arith.constant 0 : i32
        %dma_start3A_801 = tpu.memref_slice %arg18[%dma_start3A_800] : memref<1280000xf32, #tpu.memory_space<vmem_shared>> -> memref<1280000xf32, #tpu.memory_space<vmem_shared>>
        tpu.enqueue_indirect_dma source(%arg10 : memref<128xf32, #tpu.memory_space<vmem>>) target(%dma_start3A_801 : memref<1280000xf32, #tpu.memory_space<vmem_shared>>) offsets(%arg9 : memref<128xi32, #tpu.memory_space<vmem>>) semaphore(%run_scoped3A : memref<!tpu.dma_semaphore, #tpu.memory_space<semaphore_mem>>) {add = true}
        %dma_wait3A_802 = arith.constant 0 : i32
        %dma_wait3A_803 = tpu.memref_slice %arg18[%dma_wait3A_802] : memref<1280000xf32, #tpu.memory_space<vmem_shared>> -> memref<1280000xf32, #tpu.memory_space<vmem_shared>>
        tpu.wait_indirect_dma semaphore(%run_scoped3A : memref<!tpu.dma_semaphore, #tpu.memory_space<semaphore_mem>>) src(%arg10 : memref<128xf32, #tpu.memory_space<vmem>>) dst(%dma_wait3A_803 : memref<1280000xf32, #tpu.memory_space<vmem_shared>>)
        tpu.yield
      }) : () -> ()
      %add3A_600 = arith.constant 2 : i32
      %add3A_601 = arith.addi %mul3A_399, %add3A_600 : i32
      %mul3A_602 = arith.constant 128 : i32
      %mul3A_603 = arith.muli %add3A_601, %mul3A_602 : i32
      %add3A_604 = arith.constant 0 : i32
      %add3A_605 = arith.addi %mul3A_603, %add3A_604 : i32
      %get3A_606 = arith.index_cast %add3A_605 : i32 to index
      %get3A_607 = tpu.vector_load %arg6[%get3A_606] {strides = array<i32>} : memref<20000xi32, #tpu.memory_space<vmem>>, vector<16xi32>,
      %get3A_608 = vector.shape_cast %get3A_607 : vector<16xi32> to vector<16xi32>
      %add3A_609 = arith.constant 0 : i32
      %add3A_610 = arith.addi %mul3A_603, %add3A_609 : i32
      %get3A_611 = arith.index_cast %add3A_610 : i32 to index
      %get3A_612 = tpu.vector_load %arg7[%get3A_611] {strides = array<i32>} : memref<20000xi32, #tpu.memory_space<vmem>>, vector<16xi32>,
      %get3A_613 = vector.shape_cast %get3A_612 : vector<16xi32> to vector<16xi32>
      %mul3A_614 = arith.constant 128 : i32
      %mul3A_615 = vector.broadcast %mul3A_614 : i32 to vector<16xi32>
      %mul3A_616 = arith.muli %get3A_608, %mul3A_615 : vector<16xi32>
      %add3A_617 = arith.addi %mul3A_616, %get3A_613 : vector<16xi32>
      %swap3A_618 = arith.constant 0 : index
      %swap3A_619 = tpu.vector_load %arg9[%swap3A_618] {strides = array<i32>} : memref<128xi32, #tpu.memory_space<vmem>>, vector<16xi32>,
      %swap3A_620 = vector.shape_cast %swap3A_619 : vector<16xi32> to vector<16xi32>
      %swap3A_621 = vector.shape_cast %add3A_617 : vector<16xi32> to vector<16xi32>
      tpu.vector_store %arg9[%swap3A_618], %swap3A_621 {strides = array<i32>} : memref<128xi32, #tpu.memory_space<vmem>>, vector<16xi32>,
      %add3A_622 = vector.broadcast %mul3A_15 : i32 to vector<16xi32>
      %add3A_623 = arith.addi %add3A_617, %add3A_622 : vector<16xi32>
      %swap3A_624 = arith.constant 0 : index
      %swap3A_625 = tpu.vector_load %arg8[%swap3A_624] {strides = array<i32>} : memref<128xi32, #tpu.memory_space<vmem>>, vector<16xi32>,
      %swap3A_626 = vector.shape_cast %swap3A_625 : vector<16xi32> to vector<16xi32>
      %swap3A_627 = vector.shape_cast %add3A_623 : vector<16xi32> to vector<16xi32>
      tpu.vector_store %arg8[%swap3A_624], %swap3A_627 {strides = array<i32>} : memref<128xi32, #tpu.memory_space<vmem>>, vector<16xi32>,
      %add3A_628 = arith.constant 16 : i32
      %add3A_629 = arith.addi %mul3A_603, %add3A_628 : i32
      %get3A_630 = arith.index_cast %add3A_629 : i32 to index
      %get3A_631 = tpu.vector_load %arg6[%get3A_630] {strides = array<i32>} : memref<20000xi32, #tpu.memory_space<vmem>>, vector<16xi32>,
      %get3A_632 = vector.shape_cast %get3A_631 : vector<16xi32> to vector<16xi32>
      %add3A_633 = arith.constant 16 : i32
      %add3A_634 = arith.addi %mul3A_603, %add3A_633 : i32
      %get3A_635 = arith.index_cast %add3A_634 : i32 to index
      %get3A_636 = tpu.vector_load %arg7[%get3A_635] {strides = array<i32>} : memref<20000xi32, #tpu.memory_space<vmem>>, vector<16xi32>,
      %get3A_637 = vector.shape_cast %get3A_636 : vector<16xi32> to vector<16xi32>
      %mul3A_638 = arith.constant 128 : i32
      %mul3A_639 = vector.broadcast %mul3A_638 : i32 to vector<16xi32>
      %mul3A_640 = arith.muli %get3A_632, %mul3A_639 : vector<16xi32>
      %add3A_641 = arith.addi %mul3A_640, %get3A_637 : vector<16xi32>
      %swap3A_642 = arith.constant 16 : index
      %swap3A_643 = tpu.vector_load %arg9[%swap3A_642] {strides = array<i32>} : memref<128xi32, #tpu.memory_space<vmem>>, vector<16xi32>,
      %swap3A_644 = vector.shape_cast %swap3A_643 : vector<16xi32> to vector<16xi32>
      %swap3A_645 = vector.shape_cast %add3A_641 : vector<16xi32> to vector<16xi32>
      tpu.vector_store %arg9[%swap3A_642], %swap3A_645 {strides = array<i32>} : memref<128xi32, #tpu.memory_space<vmem>>, vector<16xi32>,
      %add3A_646 = vector.broadcast %mul3A_15 : i32 to vector<16xi32>
      %add3A_647 = arith.addi %add3A_641, %add3A_646 : vector<16xi32>
      %swap3A_648 = arith.constant 16 : index
      %swap3A_649 = tpu.vector_load %arg8[%swap3A_648] {strides = array<i32>} : memref<128xi32, #tpu.memory_space<vmem>>, vector<16xi32>,
      %swap3A_650 = vector.shape_cast %swap3A_649 : vector<16xi32> to vector<16xi32>
      %swap3A_651 = vector.shape_cast %add3A_647 : vector<16xi32> to vector<16xi32>
      tpu.vector_store %arg8[%swap3A_648], %swap3A_651 {strides = array<i32>} : memref<128xi32, #tpu.memory_space<vmem>>, vector<16xi32>,
      %add3A_652 = arith.constant 32 : i32
      %add3A_653 = arith.addi %mul3A_603, %add3A_652 : i32
      %get3A_654 = arith.index_cast %add3A_653 : i32 to index
      %get3A_655 = tpu.vector_load %arg6[%get3A_654] {strides = array<i32>} : memref<20000xi32, #tpu.memory_space<vmem>>, vector<16xi32>,
      %get3A_656 = vector.shape_cast %get3A_655 : vector<16xi32> to vector<16xi32>
      %add3A_657 = arith.constant 32 : i32
      %add3A_658 = arith.addi %mul3A_603, %add3A_657 : i32
      %get3A_659 = arith.index_cast %add3A_658 : i32 to index
      %get3A_660 = tpu.vector_load %arg7[%get3A_659] {strides = array<i32>} : memref<20000xi32, #tpu.memory_space<vmem>>, vector<16xi32>,
      %get3A_661 = vector.shape_cast %get3A_660 : vector<16xi32> to vector<16xi32>
      %mul3A_662 = arith.constant 128 : i32
      %mul3A_663 = vector.broadcast %mul3A_662 : i32 to vector<16xi32>
      %mul3A_664 = arith.muli %get3A_656, %mul3A_663 : vector<16xi32>
      %add3A_665 = arith.addi %mul3A_664, %get3A_661 : vector<16xi32>
      %swap3A_666 = arith.constant 32 : index
      %swap3A_667 = tpu.vector_load %arg9[%swap3A_666] {strides = array<i32>} : memref<128xi32, #tpu.memory_space<vmem>>, vector<16xi32>,
      %swap3A_668 = vector.shape_cast %swap3A_667 : vector<16xi32> to vector<16xi32>
      %swap3A_669 = vector.shape_cast %add3A_665 : vector<16xi32> to vector<16xi32>
      tpu.vector_store %arg9[%swap3A_666], %swap3A_669 {strides = array<i32>} : memref<128xi32, #tpu.memory_space<vmem>>, vector<16xi32>,
      %add3A_670 = vector.broadcast %mul3A_15 : i32 to vector<16xi32>
      %add3A_671 = arith.addi %add3A_665, %add3A_670 : vector<16xi32>
      %swap3A_672 = arith.constant 32 : index
      %swap3A_673 = tpu.vector_load %arg8[%swap3A_672] {strides = array<i32>} : memref<128xi32, #tpu.memory_space<vmem>>, vector<16xi32>,
      %swap3A_674 = vector.shape_cast %swap3A_673 : vector<16xi32> to vector<16xi32>
      %swap3A_675 = vector.shape_cast %add3A_671 : vector<16xi32> to vector<16xi32>
      tpu.vector_store %arg8[%swap3A_672], %swap3A_675 {strides = array<i32>} : memref<128xi32, #tpu.memory_space<vmem>>, vector<16xi32>,
      %add3A_676 = arith.constant 48 : i32
      %add3A_677 = arith.addi %mul3A_603, %add3A_676 : i32
      %get3A_678 = arith.index_cast %add3A_677 : i32 to index
      %get3A_679 = tpu.vector_load %arg6[%get3A_678] {strides = array<i32>} : memref<20000xi32, #tpu.memory_space<vmem>>, vector<16xi32>,
      %get3A_680 = vector.shape_cast %get3A_679 : vector<16xi32> to vector<16xi32>
      %add3A_681 = arith.constant 48 : i32
      %add3A_682 = arith.addi %mul3A_603, %add3A_681 : i32
      %get3A_683 = arith.index_cast %add3A_682 : i32 to index
      %get3A_684 = tpu.vector_load %arg7[%get3A_683] {strides = array<i32>} : memref<20000xi32, #tpu.memory_space<vmem>>, vector<16xi32>,
      %get3A_685 = vector.shape_cast %get3A_684 : vector<16xi32> to vector<16xi32>
      %mul3A_686 = arith.constant 128 : i32
      %mul3A_687 = vector.broadcast %mul3A_686 : i32 to vector<16xi32>
      %mul3A_688 = arith.muli %get3A_680, %mul3A_687 : vector<16xi32>
      %add3A_689 = arith.addi %mul3A_688, %get3A_685 : vector<16xi32>
      %swap3A_690 = arith.constant 48 : index
      %swap3A_691 = tpu.vector_load %arg9[%swap3A_690] {strides = array<i32>} : memref<128xi32, #tpu.memory_space<vmem>>, vector<16xi32>,
      %swap3A_692 = vector.shape_cast %swap3A_691 : vector<16xi32> to vector<16xi32>
      %swap3A_693 = vector.shape_cast %add3A_689 : vector<16xi32> to vector<16xi32>
      tpu.vector_store %arg9[%swap3A_690], %swap3A_693 {strides = array<i32>} : memref<128xi32, #tpu.memory_space<vmem>>, vector<16xi32>,
      %add3A_694 = vector.broadcast %mul3A_15 : i32 to vector<16xi32>
      %add3A_695 = arith.addi %add3A_689, %add3A_694 : vector<16xi32>
      %swap3A_696 = arith.constant 48 : index
      %swap3A_697 = tpu.vector_load %arg8[%swap3A_696] {strides = array<i32>} : memref<128xi32, #tpu.memory_space<vmem>>, vector<16xi32>,
      %swap3A_698 = vector.shape_cast %swap3A_697 : vector<16xi32> to vector<16xi32>
      %swap3A_699 = vector.shape_cast %add3A_695 : vector<16xi32> to vector<16xi32>
      tpu.vector_store %arg8[%swap3A_696], %swap3A_699 {strides = array<i32>} : memref<128xi32, #tpu.memory_space<vmem>>, vector<16xi32>,
      %add3A_700 = arith.constant 64 : i32
      %add3A_701 = arith.addi %mul3A_603, %add3A_700 : i32
      %get3A_702 = arith.index_cast %add3A_701 : i32 to index
      %get3A_703 = tpu.vector_load %arg6[%get3A_702] {strides = array<i32>} : memref<20000xi32, #tpu.memory_space<vmem>>, vector<16xi32>,
      %get3A_704 = vector.shape_cast %get3A_703 : vector<16xi32> to vector<16xi32>
      %add3A_705 = arith.constant 64 : i32
      %add3A_706 = arith.addi %mul3A_603, %add3A_705 : i32
      %get3A_707 = arith.index_cast %add3A_706 : i32 to index
      %get3A_708 = tpu.vector_load %arg7[%get3A_707] {strides = array<i32>} : memref<20000xi32, #tpu.memory_space<vmem>>, vector<16xi32>,
      %get3A_709 = vector.shape_cast %get3A_708 : vector<16xi32> to vector<16xi32>
      %mul3A_710 = arith.constant 128 : i32
      %mul3A_711 = vector.broadcast %mul3A_710 : i32 to vector<16xi32>
      %mul3A_712 = arith.muli %get3A_704, %mul3A_711 : vector<16xi32>
      %add3A_713 = arith.addi %mul3A_712, %get3A_709 : vector<16xi32>
      %swap3A_714 = arith.constant 64 : index
      %swap3A_715 = tpu.vector_load %arg9[%swap3A_714] {strides = array<i32>} : memref<128xi32, #tpu.memory_space<vmem>>, vector<16xi32>,
      %swap3A_716 = vector.shape_cast %swap3A_715 : vector<16xi32> to vector<16xi32>
      %swap3A_717 = vector.shape_cast %add3A_713 : vector<16xi32> to vector<16xi32>
      tpu.vector_store %arg9[%swap3A_714], %swap3A_717 {strides = array<i32>} : memref<128xi32, #tpu.memory_space<vmem>>, vector<16xi32>,
      %add3A_718 = vector.broadcast %mul3A_15 : i32 to vector<16xi32>
      %add3A_719 = arith.addi %add3A_713, %add3A_718 : vector<16xi32>
      %swap3A_720 = arith.constant 64 : index
      %swap3A_721 = tpu.vector_load %arg8[%swap3A_720] {strides = array<i32>} : memref<128xi32, #tpu.memory_space<vmem>>, vector<16xi32>,
      %swap3A_722 = vector.shape_cast %swap3A_721 : vector<16xi32> to vector<16xi32>
      %swap3A_723 = vector.shape_cast %add3A_719 : vector<16xi32> to vector<16xi32>
      tpu.vector_store %arg8[%swap3A_720], %swap3A_723 {strides = array<i32>} : memref<128xi32, #tpu.memory_space<vmem>>, vector<16xi32>,
      %add3A_724 = arith.constant 80 : i32
      %add3A_725 = arith.addi %mul3A_603, %add3A_724 : i32
      %get3A_726 = arith.index_cast %add3A_725 : i32 to index
      %get3A_727 = tpu.vector_load %arg6[%get3A_726] {strides = array<i32>} : memref<20000xi32, #tpu.memory_space<vmem>>, vector<16xi32>,
      %get3A_728 = vector.shape_cast %get3A_727 : vector<16xi32> to vector<16xi32>
      %add3A_729 = arith.constant 80 : i32
      %add3A_730 = arith.addi %mul3A_603, %add3A_729 : i32
      %get3A_731 = arith.index_cast %add3A_730 : i32 to index
      %get3A_732 = tpu.vector_load %arg7[%get3A_731] {strides = array<i32>} : memref<20000xi32, #tpu.memory_space<vmem>>, vector<16xi32>,
      %get3A_733 = vector.shape_cast %get3A_732 : vector<16xi32> to vector<16xi32>
      %mul3A_734 = arith.constant 128 : i32
      %mul3A_735 = vector.broadcast %mul3A_734 : i32 to vector<16xi32>
      %mul3A_736 = arith.muli %get3A_728, %mul3A_735 : vector<16xi32>
      %add3A_737 = arith.addi %mul3A_736, %get3A_733 : vector<16xi32>
      %swap3A_738 = arith.constant 80 : index
      %swap3A_739 = tpu.vector_load %arg9[%swap3A_738] {strides = array<i32>} : memref<128xi32, #tpu.memory_space<vmem>>, vector<16xi32>,
      %swap3A_740 = vector.shape_cast %swap3A_739 : vector<16xi32> to vector<16xi32>
      %swap3A_741 = vector.shape_cast %add3A_737 : vector<16xi32> to vector<16xi32>
      tpu.vector_store %arg9[%swap3A_738], %swap3A_741 {strides = array<i32>} : memref<128xi32, #tpu.memory_space<vmem>>, vector<16xi32>,
      %add3A_742 = vector.broadcast %mul3A_15 : i32 to vector<16xi32>
      %add3A_743 = arith.addi %add3A_737, %add3A_742 : vector<16xi32>
      %swap3A_744 = arith.constant 80 : index
      %swap3A_745 = tpu.vector_load %arg8[%swap3A_744] {strides = array<i32>} : memref<128xi32, #tpu.memory_space<vmem>>, vector<16xi32>,
      %swap3A_746 = vector.shape_cast %swap3A_745 : vector<16xi32> to vector<16xi32>
      %swap3A_747 = vector.shape_cast %add3A_743 : vector<16xi32> to vector<16xi32>
      tpu.vector_store %arg8[%swap3A_744], %swap3A_747 {strides = array<i32>} : memref<128xi32, #tpu.memory_space<vmem>>, vector<16xi32>,
      %add3A_748 = arith.constant 96 : i32
      %add3A_749 = arith.addi %mul3A_603, %add3A_748 : i32
      %get3A_750 = arith.index_cast %add3A_749 : i32 to index
      %get3A_751 = tpu.vector_load %arg6[%get3A_750] {strides = array<i32>} : memref<20000xi32, #tpu.memory_space<vmem>>, vector<16xi32>,
      %get3A_752 = vector.shape_cast %get3A_751 : vector<16xi32> to vector<16xi32>
      %add3A_753 = arith.constant 96 : i32
      %add3A_754 = arith.addi %mul3A_603, %add3A_753 : i32
      %get3A_755 = arith.index_cast %add3A_754 : i32 to index
      %get3A_756 = tpu.vector_load %arg7[%get3A_755] {strides = array<i32>} : memref<20000xi32, #tpu.memory_space<vmem>>, vector<16xi32>,
      %get3A_757 = vector.shape_cast %get3A_756 : vector<16xi32> to vector<16xi32>
      %mul3A_758 = arith.constant 128 : i32
      %mul3A_759 = vector.broadcast %mul3A_758 : i32 to vector<16xi32>
      %mul3A_760 = arith.muli %get3A_752, %mul3A_759 : vector<16xi32>
      %add3A_761 = arith.addi %mul3A_760, %get3A_757 : vector<16xi32>
      %swap3A_762 = arith.constant 96 : index
      %swap3A_763 = tpu.vector_load %arg9[%swap3A_762] {strides = array<i32>} : memref<128xi32, #tpu.memory_space<vmem>>, vector<16xi32>,
      %swap3A_764 = vector.shape_cast %swap3A_763 : vector<16xi32> to vector<16xi32>
      %swap3A_765 = vector.shape_cast %add3A_761 : vector<16xi32> to vector<16xi32>
      tpu.vector_store %arg9[%swap3A_762], %swap3A_765 {strides = array<i32>} : memref<128xi32, #tpu.memory_space<vmem>>, vector<16xi32>,
      %add3A_766 = vector.broadcast %mul3A_15 : i32 to vector<16xi32>
      %add3A_767 = arith.addi %add3A_761, %add3A_766 : vector<16xi32>
      %swap3A_768 = arith.constant 96 : index
      %swap3A_769 = tpu.vector_load %arg8[%swap3A_768] {strides = array<i32>} : memref<128xi32, #tpu.memory_space<vmem>>, vector<16xi32>,
      %swap3A_770 = vector.shape_cast %swap3A_769 : vector<16xi32> to vector<16xi32>
      %swap3A_771 = vector.shape_cast %add3A_767 : vector<16xi32> to vector<16xi32>
      tpu.vector_store %arg8[%swap3A_768], %swap3A_771 {strides = array<i32>} : memref<128xi32, #tpu.memory_space<vmem>>, vector<16xi32>,
      %add3A_772 = arith.constant 112 : i32
      %add3A_773 = arith.addi %mul3A_603, %add3A_772 : i32
      %get3A_774 = arith.index_cast %add3A_773 : i32 to index
      %get3A_775 = tpu.vector_load %arg6[%get3A_774] {strides = array<i32>} : memref<20000xi32, #tpu.memory_space<vmem>>, vector<16xi32>,
      %get3A_776 = vector.shape_cast %get3A_775 : vector<16xi32> to vector<16xi32>
      %add3A_777 = arith.constant 112 : i32
      %add3A_778 = arith.addi %mul3A_603, %add3A_777 : i32
      %get3A_779 = arith.index_cast %add3A_778 : i32 to index
      %get3A_780 = tpu.vector_load %arg7[%get3A_779] {strides = array<i32>} : memref<20000xi32, #tpu.memory_space<vmem>>, vector<16xi32>,
      %get3A_781 = vector.shape_cast %get3A_780 : vector<16xi32> to vector<16xi32>
      %mul3A_782 = arith.constant 128 : i32
      %mul3A_783 = vector.broadcast %mul3A_782 : i32 to vector<16xi32>
      %mul3A_784 = arith.muli %get3A_776, %mul3A_783 : vector<16xi32>
      %add3A_785 = arith.addi %mul3A_784, %get3A_781 : vector<16xi32>
      %swap3A_786 = arith.constant 112 : index
      %swap3A_787 = tpu.vector_load %arg9[%swap3A_786] {strides = array<i32>} : memref<128xi32, #tpu.memory_space<vmem>>, vector<16xi32>,
      %swap3A_788 = vector.shape_cast %swap3A_787 : vector<16xi32> to vector<16xi32>
      %swap3A_789 = vector.shape_cast %add3A_785 : vector<16xi32> to vector<16xi32>
      tpu.vector_store %arg9[%swap3A_786], %swap3A_789 {strides = array<i32>} : memref<128xi32, #tpu.memory_space<vmem>>, vector<16xi32>,
      %add3A_790 = vector.broadcast %mul3A_15 : i32 to vector<16xi32>
      %add3A_791 = arith.addi %add3A_785, %add3A_790 : vector<16xi32>
      %swap3A_792 = arith.constant 112 : index
      %swap3A_793 = tpu.vector_load %arg8[%swap3A_792] {strides = array<i32>} : memref<128xi32, #tpu.memory_space<vmem>>, vector<16xi32>,
      %swap3A_794 = vector.shape_cast %swap3A_793 : vector<16xi32> to vector<16xi32>
      %swap3A_795 = vector.shape_cast %add3A_791 : vector<16xi32> to vector<16xi32>
      tpu.vector_store %arg8[%swap3A_792], %swap3A_795 {strides = array<i32>} : memref<128xi32, #tpu.memory_space<vmem>>, vector<16xi32>,
      %dma_start3A_796 = arith.constant 0 : i32
      %dma_start3A_797 = tpu.memref_slice %arg2[%dma_start3A_796] : memref<2560000xf32, #tpu.memory_space<hbm>> -> memref<2560000xf32, #tpu.memory_space<hbm>>
      tpu.enqueue_indirect_dma source(%dma_start3A_797 : memref<2560000xf32, #tpu.memory_space<hbm>>) target(%arg10 : memref<128xf32, #tpu.memory_space<vmem>>) offsets(%arg8 : memref<128xi32, #tpu.memory_space<vmem>>) semaphore(%arg19 : memref<!tpu.dma_semaphore, #tpu.memory_space<semaphore_mem>>)
      %dma_wait3A_798 = arith.constant 0 : i32
      %dma_wait3A_799 = tpu.memref_slice %arg2[%dma_wait3A_798] : memref<2560000xf32, #tpu.memory_space<hbm>> -> memref<2560000xf32, #tpu.memory_space<hbm>>
      tpu.wait_indirect_dma semaphore(%arg20 : memref<!tpu.dma_semaphore, #tpu.memory_space<semaphore_mem>>) src(%dma_wait3A_799 : memref<2560000xf32, #tpu.memory_space<hbm>>) dst(%arg13 : memref<128xf32, #tpu.memory_space<vmem>>)
      "tpu.region"() ({
        %run_scoped3A = tpu.sem_alloc : memref<!tpu.dma_semaphore, #tpu.memory_space<semaphore_mem>>
        %dma_start3A_800 = arith.constant 0 : i32
        %dma_start3A_801 = tpu.memref_slice %arg18[%dma_start3A_800] : memref<1280000xf32, #tpu.memory_space<vmem_shared>> -> memref<1280000xf32, #tpu.memory_space<vmem_shared>>
        tpu.enqueue_indirect_dma source(%arg13 : memref<128xf32, #tpu.memory_space<vmem>>) target(%dma_start3A_801 : memref<1280000xf32, #tpu.memory_space<vmem_shared>>) offsets(%arg12 : memref<128xi32, #tpu.memory_space<vmem>>) semaphore(%run_scoped3A : memref<!tpu.dma_semaphore, #tpu.memory_space<semaphore_mem>>) {add = true}
        %dma_wait3A_802 = arith.constant 0 : i32
        %dma_wait3A_803 = tpu.memref_slice %arg18[%dma_wait3A_802] : memref<1280000xf32, #tpu.memory_space<vmem_shared>> -> memref<1280000xf32, #tpu.memory_space<vmem_shared>>
        tpu.wait_indirect_dma semaphore(%run_scoped3A : memref<!tpu.dma_semaphore, #tpu.memory_space<semaphore_mem>>) src(%arg13 : memref<128xf32, #tpu.memory_space<vmem>>) dst(%dma_wait3A_803 : memref<1280000xf32, #tpu.memory_space<vmem_shared>>)
        tpu.yield
      }) : () -> ()
    }
    %scan3A_180 = arith.constant 77 : i32
    %get3A_181 = arith.constant 19840 : index
    %get3A_182 = tpu.vector_load %arg6[%get3A_181] {strides = array<i32>} : memref<20000xi32, #tpu.memory_space<vmem>>, vector<16xi32>,
    %get3A_183 = vector.shape_cast %get3A_182 : vector<16xi32> to vector<16xi32>
    %get3A_184 = arith.constant 19840 : index
    %get3A_185 = tpu.vector_load %arg7[%get3A_184] {strides = array<i32>} : memref<20000xi32, #tpu.memory_space<vmem>>, vector<16xi32>,
    %get3A_186 = vector.shape_cast %get3A_185 : vector<16xi32> to vector<16xi32>
    %mul3A_187 = arith.constant 128 : i32
    %mul3A_188 = vector.broadcast %mul3A_187 : i32 to vector<16xi32>
    %mul3A_189 = arith.muli %get3A_183, %mul3A_188 : vector<16xi32>
    %add3A_190 = arith.addi %mul3A_189, %get3A_186 : vector<16xi32>
    %swap3A_191 = arith.constant 0 : index
    %swap3A_192 = tpu.vector_load %arg12[%swap3A_191] {strides = array<i32>} : memref<128xi32, #tpu.memory_space<vmem>>, vector<16xi32>,
    %swap3A_193 = vector.shape_cast %swap3A_192 : vector<16xi32> to vector<16xi32>
    %swap3A_194 = vector.shape_cast %add3A_190 : vector<16xi32> to vector<16xi32>
    tpu.vector_store %arg12[%swap3A_191], %swap3A_194 {strides = array<i32>} : memref<128xi32, #tpu.memory_space<vmem>>, vector<16xi32>,
    %add3A_195 = vector.broadcast %mul3A_15 : i32 to vector<16xi32>
    %add3A_196 = arith.addi %add3A_190, %add3A_195 : vector<16xi32>
    %swap3A_197 = arith.constant 0 : index
    %swap3A_198 = tpu.vector_load %arg11[%swap3A_197] {strides = array<i32>} : memref<128xi32, #tpu.memory_space<vmem>>, vector<16xi32>,
    %swap3A_199 = vector.shape_cast %swap3A_198 : vector<16xi32> to vector<16xi32>
    %swap3A_200 = vector.shape_cast %add3A_196 : vector<16xi32> to vector<16xi32>
    tpu.vector_store %arg11[%swap3A_197], %swap3A_200 {strides = array<i32>} : memref<128xi32, #tpu.memory_space<vmem>>, vector<16xi32>,
    %get3A_201 = arith.constant 19856 : index
    %get3A_202 = tpu.vector_load %arg6[%get3A_201] {strides = array<i32>} : memref<20000xi32, #tpu.memory_space<vmem>>, vector<16xi32>,
    %get3A_203 = vector.shape_cast %get3A_202 : vector<16xi32> to vector<16xi32>
    %get3A_204 = arith.constant 19856 : index
    %get3A_205 = tpu.vector_load %arg7[%get3A_204] {strides = array<i32>} : memref<20000xi32, #tpu.memory_space<vmem>>, vector<16xi32>,
    %get3A_206 = vector.shape_cast %get3A_205 : vector<16xi32> to vector<16xi32>
    %mul3A_207 = arith.constant 128 : i32
    %mul3A_208 = vector.broadcast %mul3A_207 : i32 to vector<16xi32>
    %mul3A_209 = arith.muli %get3A_203, %mul3A_208 : vector<16xi32>
    %add3A_210 = arith.addi %mul3A_209, %get3A_206 : vector<16xi32>
    %swap3A_211 = arith.constant 16 : index
    %swap3A_212 = tpu.vector_load %arg12[%swap3A_211] {strides = array<i32>} : memref<128xi32, #tpu.memory_space<vmem>>, vector<16xi32>,
    %swap3A_213 = vector.shape_cast %swap3A_212 : vector<16xi32> to vector<16xi32>
    %swap3A_214 = vector.shape_cast %add3A_210 : vector<16xi32> to vector<16xi32>
    tpu.vector_store %arg12[%swap3A_211], %swap3A_214 {strides = array<i32>} : memref<128xi32, #tpu.memory_space<vmem>>, vector<16xi32>,
    %add3A_215 = vector.broadcast %mul3A_15 : i32 to vector<16xi32>
    %add3A_216 = arith.addi %add3A_210, %add3A_215 : vector<16xi32>
    %swap3A_217 = arith.constant 16 : index
    %swap3A_218 = tpu.vector_load %arg11[%swap3A_217] {strides = array<i32>} : memref<128xi32, #tpu.memory_space<vmem>>, vector<16xi32>,
    %swap3A_219 = vector.shape_cast %swap3A_218 : vector<16xi32> to vector<16xi32>
    %swap3A_220 = vector.shape_cast %add3A_216 : vector<16xi32> to vector<16xi32>
    tpu.vector_store %arg11[%swap3A_217], %swap3A_220 {strides = array<i32>} : memref<128xi32, #tpu.memory_space<vmem>>, vector<16xi32>,
    %get3A_221 = arith.constant 19872 : index
    %get3A_222 = tpu.vector_load %arg6[%get3A_221] {strides = array<i32>} : memref<20000xi32, #tpu.memory_space<vmem>>, vector<16xi32>,
    %get3A_223 = vector.shape_cast %get3A_222 : vector<16xi32> to vector<16xi32>
    %get3A_224 = arith.constant 19872 : index
    %get3A_225 = tpu.vector_load %arg7[%get3A_224] {strides = array<i32>} : memref<20000xi32, #tpu.memory_space<vmem>>, vector<16xi32>,
    %get3A_226 = vector.shape_cast %get3A_225 : vector<16xi32> to vector<16xi32>
    %mul3A_227 = arith.constant 128 : i32
    %mul3A_228 = vector.broadcast %mul3A_227 : i32 to vector<16xi32>
    %mul3A_229 = arith.muli %get3A_223, %mul3A_228 : vector<16xi32>
    %add3A_230 = arith.addi %mul3A_229, %get3A_226 : vector<16xi32>
    %swap3A_231 = arith.constant 32 : index
    %swap3A_232 = tpu.vector_load %arg12[%swap3A_231] {strides = array<i32>} : memref<128xi32, #tpu.memory_space<vmem>>, vector<16xi32>,
    %swap3A_233 = vector.shape_cast %swap3A_232 : vector<16xi32> to vector<16xi32>
    %swap3A_234 = vector.shape_cast %add3A_230 : vector<16xi32> to vector<16xi32>
    tpu.vector_store %arg12[%swap3A_231], %swap3A_234 {strides = array<i32>} : memref<128xi32, #tpu.memory_space<vmem>>, vector<16xi32>,
    %add3A_235 = vector.broadcast %mul3A_15 : i32 to vector<16xi32>
    %add3A_236 = arith.addi %add3A_230, %add3A_235 : vector<16xi32>
    %swap3A_237 = arith.constant 32 : index
    %swap3A_238 = tpu.vector_load %arg11[%swap3A_237] {strides = array<i32>} : memref<128xi32, #tpu.memory_space<vmem>>, vector<16xi32>,
    %swap3A_239 = vector.shape_cast %swap3A_238 : vector<16xi32> to vector<16xi32>
    %swap3A_240 = vector.shape_cast %add3A_236 : vector<16xi32> to vector<16xi32>
    tpu.vector_store %arg11[%swap3A_237], %swap3A_240 {strides = array<i32>} : memref<128xi32, #tpu.memory_space<vmem>>, vector<16xi32>,
    %get3A_241 = arith.constant 19888 : index
    %get3A_242 = tpu.vector_load %arg6[%get3A_241] {strides = array<i32>} : memref<20000xi32, #tpu.memory_space<vmem>>, vector<16xi32>,
    %get3A_243 = vector.shape_cast %get3A_242 : vector<16xi32> to vector<16xi32>
    %get3A_244 = arith.constant 19888 : index
    %get3A_245 = tpu.vector_load %arg7[%get3A_244] {strides = array<i32>} : memref<20000xi32, #tpu.memory_space<vmem>>, vector<16xi32>,
    %get3A_246 = vector.shape_cast %get3A_245 : vector<16xi32> to vector<16xi32>
    %mul3A_247 = arith.constant 128 : i32
    %mul3A_248 = vector.broadcast %mul3A_247 : i32 to vector<16xi32>
    %mul3A_249 = arith.muli %get3A_243, %mul3A_248 : vector<16xi32>
    %add3A_250 = arith.addi %mul3A_249, %get3A_246 : vector<16xi32>
    %swap3A_251 = arith.constant 48 : index
    %swap3A_252 = tpu.vector_load %arg12[%swap3A_251] {strides = array<i32>} : memref<128xi32, #tpu.memory_space<vmem>>, vector<16xi32>,
    %swap3A_253 = vector.shape_cast %swap3A_252 : vector<16xi32> to vector<16xi32>
    %swap3A_254 = vector.shape_cast %add3A_250 : vector<16xi32> to vector<16xi32>
    tpu.vector_store %arg12[%swap3A_251], %swap3A_254 {strides = array<i32>} : memref<128xi32, #tpu.memory_space<vmem>>, vector<16xi32>,
    %add3A_255 = vector.broadcast %mul3A_15 : i32 to vector<16xi32>
    %add3A_256 = arith.addi %add3A_250, %add3A_255 : vector<16xi32>
    %swap3A_257 = arith.constant 48 : index
    %swap3A_258 = tpu.vector_load %arg11[%swap3A_257] {strides = array<i32>} : memref<128xi32, #tpu.memory_space<vmem>>, vector<16xi32>,
    %swap3A_259 = vector.shape_cast %swap3A_258 : vector<16xi32> to vector<16xi32>
    %swap3A_260 = vector.shape_cast %add3A_256 : vector<16xi32> to vector<16xi32>
    tpu.vector_store %arg11[%swap3A_257], %swap3A_260 {strides = array<i32>} : memref<128xi32, #tpu.memory_space<vmem>>, vector<16xi32>,
    %get3A_261 = arith.constant 19904 : index
    %get3A_262 = tpu.vector_load %arg6[%get3A_261] {strides = array<i32>} : memref<20000xi32, #tpu.memory_space<vmem>>, vector<16xi32>,
    %get3A_263 = vector.shape_cast %get3A_262 : vector<16xi32> to vector<16xi32>
    %get3A_264 = arith.constant 19904 : index
    %get3A_265 = tpu.vector_load %arg7[%get3A_264] {strides = array<i32>} : memref<20000xi32, #tpu.memory_space<vmem>>, vector<16xi32>,
    %get3A_266 = vector.shape_cast %get3A_265 : vector<16xi32> to vector<16xi32>
    %mul3A_267 = arith.constant 128 : i32
    %mul3A_268 = vector.broadcast %mul3A_267 : i32 to vector<16xi32>
    %mul3A_269 = arith.muli %get3A_263, %mul3A_268 : vector<16xi32>
    %add3A_270 = arith.addi %mul3A_269, %get3A_266 : vector<16xi32>
    %swap3A_271 = arith.constant 64 : index
    %swap3A_272 = tpu.vector_load %arg12[%swap3A_271] {strides = array<i32>} : memref<128xi32, #tpu.memory_space<vmem>>, vector<16xi32>,
    %swap3A_273 = vector.shape_cast %swap3A_272 : vector<16xi32> to vector<16xi32>
    %swap3A_274 = vector.shape_cast %add3A_270 : vector<16xi32> to vector<16xi32>
    tpu.vector_store %arg12[%swap3A_271], %swap3A_274 {strides = array<i32>} : memref<128xi32, #tpu.memory_space<vmem>>, vector<16xi32>,
    %add3A_275 = vector.broadcast %mul3A_15 : i32 to vector<16xi32>
    %add3A_276 = arith.addi %add3A_270, %add3A_275 : vector<16xi32>
    %swap3A_277 = arith.constant 64 : index
    %swap3A_278 = tpu.vector_load %arg11[%swap3A_277] {strides = array<i32>} : memref<128xi32, #tpu.memory_space<vmem>>, vector<16xi32>,
    %swap3A_279 = vector.shape_cast %swap3A_278 : vector<16xi32> to vector<16xi32>
    %swap3A_280 = vector.shape_cast %add3A_276 : vector<16xi32> to vector<16xi32>
    tpu.vector_store %arg11[%swap3A_277], %swap3A_280 {strides = array<i32>} : memref<128xi32, #tpu.memory_space<vmem>>, vector<16xi32>,
    %get3A_281 = arith.constant 19920 : index
    %get3A_282 = tpu.vector_load %arg6[%get3A_281] {strides = array<i32>} : memref<20000xi32, #tpu.memory_space<vmem>>, vector<16xi32>,
    %get3A_283 = vector.shape_cast %get3A_282 : vector<16xi32> to vector<16xi32>
    %get3A_284 = arith.constant 19920 : index
    %get3A_285 = tpu.vector_load %arg7[%get3A_284] {strides = array<i32>} : memref<20000xi32, #tpu.memory_space<vmem>>, vector<16xi32>,
    %get3A_286 = vector.shape_cast %get3A_285 : vector<16xi32> to vector<16xi32>
    %mul3A_287 = arith.constant 128 : i32
    %mul3A_288 = vector.broadcast %mul3A_287 : i32 to vector<16xi32>
    %mul3A_289 = arith.muli %get3A_283, %mul3A_288 : vector<16xi32>
    %add3A_290 = arith.addi %mul3A_289, %get3A_286 : vector<16xi32>
    %swap3A_291 = arith.constant 80 : index
    %swap3A_292 = tpu.vector_load %arg12[%swap3A_291] {strides = array<i32>} : memref<128xi32, #tpu.memory_space<vmem>>, vector<16xi32>,
    %swap3A_293 = vector.shape_cast %swap3A_292 : vector<16xi32> to vector<16xi32>
    %swap3A_294 = vector.shape_cast %add3A_290 : vector<16xi32> to vector<16xi32>
    tpu.vector_store %arg12[%swap3A_291], %swap3A_294 {strides = array<i32>} : memref<128xi32, #tpu.memory_space<vmem>>, vector<16xi32>,
    %add3A_295 = vector.broadcast %mul3A_15 : i32 to vector<16xi32>
    %add3A_296 = arith.addi %add3A_290, %add3A_295 : vector<16xi32>
    %swap3A_297 = arith.constant 80 : index
    %swap3A_298 = tpu.vector_load %arg11[%swap3A_297] {strides = array<i32>} : memref<128xi32, #tpu.memory_space<vmem>>, vector<16xi32>,
    %swap3A_299 = vector.shape_cast %swap3A_298 : vector<16xi32> to vector<16xi32>
    %swap3A_300 = vector.shape_cast %add3A_296 : vector<16xi32> to vector<16xi32>
    tpu.vector_store %arg11[%swap3A_297], %swap3A_300 {strides = array<i32>} : memref<128xi32, #tpu.memory_space<vmem>>, vector<16xi32>,
    %get3A_301 = arith.constant 19936 : index
    %get3A_302 = tpu.vector_load %arg6[%get3A_301] {strides = array<i32>} : memref<20000xi32, #tpu.memory_space<vmem>>, vector<16xi32>,
    %get3A_303 = vector.shape_cast %get3A_302 : vector<16xi32> to vector<16xi32>
    %get3A_304 = arith.constant 19936 : index
    %get3A_305 = tpu.vector_load %arg7[%get3A_304] {strides = array<i32>} : memref<20000xi32, #tpu.memory_space<vmem>>, vector<16xi32>,
    %get3A_306 = vector.shape_cast %get3A_305 : vector<16xi32> to vector<16xi32>
    %mul3A_307 = arith.constant 128 : i32
    %mul3A_308 = vector.broadcast %mul3A_307 : i32 to vector<16xi32>
    %mul3A_309 = arith.muli %get3A_303, %mul3A_308 : vector<16xi32>
    %add3A_310 = arith.addi %mul3A_309, %get3A_306 : vector<16xi32>
    %swap3A_311 = arith.constant 96 : index
    %swap3A_312 = tpu.vector_load %arg12[%swap3A_311] {strides = array<i32>} : memref<128xi32, #tpu.memory_space<vmem>>, vector<16xi32>,
    %swap3A_313 = vector.shape_cast %swap3A_312 : vector<16xi32> to vector<16xi32>
    %swap3A_314 = vector.shape_cast %add3A_310 : vector<16xi32> to vector<16xi32>
    tpu.vector_store %arg12[%swap3A_311], %swap3A_314 {strides = array<i32>} : memref<128xi32, #tpu.memory_space<vmem>>, vector<16xi32>,
    %add3A_315 = vector.broadcast %mul3A_15 : i32 to vector<16xi32>
    %add3A_316 = arith.addi %add3A_310, %add3A_315 : vector<16xi32>
    %swap3A_317 = arith.constant 96 : index
    %swap3A_318 = tpu.vector_load %arg11[%swap3A_317] {strides = array<i32>} : memref<128xi32, #tpu.memory_space<vmem>>, vector<16xi32>,
    %swap3A_319 = vector.shape_cast %swap3A_318 : vector<16xi32> to vector<16xi32>
    %swap3A_320 = vector.shape_cast %add3A_316 : vector<16xi32> to vector<16xi32>
    tpu.vector_store %arg11[%swap3A_317], %swap3A_320 {strides = array<i32>} : memref<128xi32, #tpu.memory_space<vmem>>, vector<16xi32>,
    %get3A_321 = arith.constant 19952 : index
    %get3A_322 = tpu.vector_load %arg6[%get3A_321] {strides = array<i32>} : memref<20000xi32, #tpu.memory_space<vmem>>, vector<16xi32>,
    %get3A_323 = vector.shape_cast %get3A_322 : vector<16xi32> to vector<16xi32>
    %get3A_324 = arith.constant 19952 : index
    %get3A_325 = tpu.vector_load %arg7[%get3A_324] {strides = array<i32>} : memref<20000xi32, #tpu.memory_space<vmem>>, vector<16xi32>,
    %get3A_326 = vector.shape_cast %get3A_325 : vector<16xi32> to vector<16xi32>
    %mul3A_327 = arith.constant 128 : i32
    %mul3A_328 = vector.broadcast %mul3A_327 : i32 to vector<16xi32>
    %mul3A_329 = arith.muli %get3A_323, %mul3A_328 : vector<16xi32>
    %add3A_330 = arith.addi %mul3A_329, %get3A_326 : vector<16xi32>
    %swap3A_331 = arith.constant 112 : index
    %swap3A_332 = tpu.vector_load %arg12[%swap3A_331] {strides = array<i32>} : memref<128xi32, #tpu.memory_space<vmem>>, vector<16xi32>,
    %swap3A_333 = vector.shape_cast %swap3A_332 : vector<16xi32> to vector<16xi32>
    %swap3A_334 = vector.shape_cast %add3A_330 : vector<16xi32> to vector<16xi32>
    tpu.vector_store %arg12[%swap3A_331], %swap3A_334 {strides = array<i32>} : memref<128xi32, #tpu.memory_space<vmem>>, vector<16xi32>,
    %add3A_335 = vector.broadcast %mul3A_15 : i32 to vector<16xi32>
    %add3A_336 = arith.addi %add3A_330, %add3A_335 : vector<16xi32>
    %swap3A_337 = arith.constant 112 : index
    %swap3A_338 = tpu.vector_load %arg11[%swap3A_337] {strides = array<i32>} : memref<128xi32, #tpu.memory_space<vmem>>, vector<16xi32>,
    %swap3A_339 = vector.shape_cast %swap3A_338 : vector<16xi32> to vector<16xi32>
    %swap3A_340 = vector.shape_cast %add3A_336 : vector<16xi32> to vector<16xi32>
    tpu.vector_store %arg11[%swap3A_337], %swap3A_340 {strides = array<i32>} : memref<128xi32, #tpu.memory_space<vmem>>, vector<16xi32>,
    %dma_start3A_341 = arith.constant 0 : i32
    %dma_start3A_342 = tpu.memref_slice %arg2[%dma_start3A_341] : memref<2560000xf32, #tpu.memory_space<hbm>> -> memref<2560000xf32, #tpu.memory_space<hbm>>
    tpu.enqueue_indirect_dma source(%dma_start3A_342 : memref<2560000xf32, #tpu.memory_space<hbm>>) target(%arg13 : memref<128xf32, #tpu.memory_space<vmem>>) offsets(%arg11 : memref<128xi32, #tpu.memory_space<vmem>>) semaphore(%arg20 : memref<!tpu.dma_semaphore, #tpu.memory_space<semaphore_mem>>)
    %dma_wait3A = arith.constant 0 : i32
    %dma_wait3A_343 = tpu.memref_slice %arg2[%dma_wait3A] : memref<2560000xf32, #tpu.memory_space<hbm>> -> memref<2560000xf32, #tpu.memory_space<hbm>>
    tpu.wait_indirect_dma semaphore(%arg19 : memref<!tpu.dma_semaphore, #tpu.memory_space<semaphore_mem>>) src(%dma_wait3A_343 : memref<2560000xf32, #tpu.memory_space<hbm>>) dst(%arg10 : memref<128xf32, #tpu.memory_space<vmem>>)
    "tpu.region"() ({
      %run_scoped3A = tpu.sem_alloc : memref<!tpu.dma_semaphore, #tpu.memory_space<semaphore_mem>>
      %dma_start3A_397 = arith.constant 0 : i32
      %dma_start3A_398 = tpu.memref_slice %arg18[%dma_start3A_397] : memref<1280000xf32, #tpu.memory_space<vmem_shared>> -> memref<1280000xf32, #tpu.memory_space<vmem_shared>>
      tpu.enqueue_indirect_dma source(%arg10 : memref<128xf32, #tpu.memory_space<vmem>>) target(%dma_start3A_398 : memref<1280000xf32, #tpu.memory_space<vmem_shared>>) offsets(%arg9 : memref<128xi32, #tpu.memory_space<vmem>>) semaphore(%run_scoped3A : memref<!tpu.dma_semaphore, #tpu.memory_space<semaphore_mem>>) {add = true}
      %dma_wait3A_399 = arith.constant 0 : i32
      %dma_wait3A_400 = tpu.memref_slice %arg18[%dma_wait3A_399] : memref<1280000xf32, #tpu.memory_space<vmem_shared>> -> memref<1280000xf32, #tpu.memory_space<vmem_shared>>
      tpu.wait_indirect_dma semaphore(%run_scoped3A : memref<!tpu.dma_semaphore, #tpu.memory_space<semaphore_mem>>) src(%arg10 : memref<128xf32, #tpu.memory_space<vmem>>) dst(%dma_wait3A_400 : memref<1280000xf32, #tpu.memory_space<vmem_shared>>)
      tpu.yield
    }) : () -> ()
    %get3A_344 = arith.constant 19968 : index
    %get3A_345 = tpu.vector_load %arg6[%get3A_344] {strides = array<i32>} : memref<20000xi32, #tpu.memory_space<vmem>>, vector<16xi32>,
    %get3A_346 = vector.shape_cast %get3A_345 : vector<16xi32> to vector<16xi32>
    %get3A_347 = arith.constant 19968 : index
    %get3A_348 = tpu.vector_load %arg7[%get3A_347] {strides = array<i32>} : memref<20000xi32, #tpu.memory_space<vmem>>, vector<16xi32>,
    %get3A_349 = vector.shape_cast %get3A_348 : vector<16xi32> to vector<16xi32>
    %mul3A_350 = arith.constant 128 : i32
    %mul3A_351 = vector.broadcast %mul3A_350 : i32 to vector<16xi32>
    %mul3A_352 = arith.muli %get3A_346, %mul3A_351 : vector<16xi32>
    %add3A_353 = arith.addi %mul3A_352, %get3A_349 : vector<16xi32>
    %swap3A_354 = arith.constant 0 : index
    %swap3A_355 = tpu.vector_load %arg15[%swap3A_354] {strides = array<i32>} : memref<32xi32, #tpu.memory_space<vmem>>, vector<16xi32>,
    %swap3A_356 = vector.shape_cast %swap3A_355 : vector<16xi32> to vector<16xi32>
    %swap3A_357 = vector.shape_cast %add3A_353 : vector<16xi32> to vector<16xi32>
    tpu.vector_store %arg15[%swap3A_354], %swap3A_357 {strides = array<i32>} : memref<32xi32, #tpu.memory_space<vmem>>, vector<16xi32>,
    %add3A_358 = vector.broadcast %mul3A_15 : i32 to vector<16xi32>
    %add3A_359 = arith.addi %add3A_353, %add3A_358 : vector<16xi32>
    %swap3A_360 = arith.constant 0 : index
    %swap3A_361 = tpu.vector_load %arg14[%swap3A_360] {strides = array<i32>} : memref<32xi32, #tpu.memory_space<vmem>>, vector<16xi32>,
    %swap3A_362 = vector.shape_cast %swap3A_361 : vector<16xi32> to vector<16xi32>
    %swap3A_363 = vector.shape_cast %add3A_359 : vector<16xi32> to vector<16xi32>
    tpu.vector_store %arg14[%swap3A_360], %swap3A_363 {strides = array<i32>} : memref<32xi32, #tpu.memory_space<vmem>>, vector<16xi32>,
    %get3A_364 = arith.constant 19984 : index
    %get3A_365 = tpu.vector_load %arg6[%get3A_364] {strides = array<i32>} : memref<20000xi32, #tpu.memory_space<vmem>>, vector<16xi32>,
    %get3A_366 = vector.shape_cast %get3A_365 : vector<16xi32> to vector<16xi32>
    %get3A_367 = arith.constant 19984 : index
    %get3A_368 = tpu.vector_load %arg7[%get3A_367] {strides = array<i32>} : memref<20000xi32, #tpu.memory_space<vmem>>, vector<16xi32>,
    %get3A_369 = vector.shape_cast %get3A_368 : vector<16xi32> to vector<16xi32>
    %mul3A_370 = arith.constant 128 : i32
    %mul3A_371 = vector.broadcast %mul3A_370 : i32 to vector<16xi32>
    %mul3A_372 = arith.muli %get3A_366, %mul3A_371 : vector<16xi32>
    %add3A_373 = arith.addi %mul3A_372, %get3A_369 : vector<16xi32>
    %swap3A_374 = arith.constant 16 : index
    %swap3A_375 = tpu.vector_load %arg15[%swap3A_374] {strides = array<i32>} : memref<32xi32, #tpu.memory_space<vmem>>, vector<16xi32>,
    %swap3A_376 = vector.shape_cast %swap3A_375 : vector<16xi32> to vector<16xi32>
    %swap3A_377 = vector.shape_cast %add3A_373 : vector<16xi32> to vector<16xi32>
    tpu.vector_store %arg15[%swap3A_374], %swap3A_377 {strides = array<i32>} : memref<32xi32, #tpu.memory_space<vmem>>, vector<16xi32>,
    %add3A_378 = vector.broadcast %mul3A_15 : i32 to vector<16xi32>
    %add3A_379 = arith.addi %add3A_373, %add3A_378 : vector<16xi32>
    %swap3A_380 = arith.constant 16 : index
    %swap3A_381 = tpu.vector_load %arg14[%swap3A_380] {strides = array<i32>} : memref<32xi32, #tpu.memory_space<vmem>>, vector<16xi32>,
    %swap3A_382 = vector.shape_cast %swap3A_381 : vector<16xi32> to vector<16xi32>
    %swap3A_383 = vector.shape_cast %add3A_379 : vector<16xi32> to vector<16xi32>
    tpu.vector_store %arg14[%swap3A_380], %swap3A_383 {strides = array<i32>} : memref<32xi32, #tpu.memory_space<vmem>>, vector<16xi32>,
    %dma_start3A_384 = arith.constant 0 : i32
    %dma_start3A_385 = tpu.memref_slice %arg2[%dma_start3A_384] : memref<2560000xf32, #tpu.memory_space<hbm>> -> memref<2560000xf32, #tpu.memory_space<hbm>>
    tpu.enqueue_indirect_dma source(%dma_start3A_385 : memref<2560000xf32, #tpu.memory_space<hbm>>) target(%arg16 : memref<32xf32, #tpu.memory_space<vmem>>) offsets(%arg14 : memref<32xi32, #tpu.memory_space<vmem>>) semaphore(%arg19 : memref<!tpu.dma_semaphore, #tpu.memory_space<semaphore_mem>>)
    %dma_wait3A_386 = arith.constant 0 : i32
    %dma_wait3A_387 = tpu.memref_slice %arg2[%dma_wait3A_386] : memref<2560000xf32, #tpu.memory_space<hbm>> -> memref<2560000xf32, #tpu.memory_space<hbm>>
    tpu.wait_indirect_dma semaphore(%arg20 : memref<!tpu.dma_semaphore, #tpu.memory_space<semaphore_mem>>) src(%dma_wait3A_387 : memref<2560000xf32, #tpu.memory_space<hbm>>) dst(%arg13 : memref<128xf32, #tpu.memory_space<vmem>>)
    "tpu.region"() ({
      %run_scoped3A = tpu.sem_alloc : memref<!tpu.dma_semaphore, #tpu.memory_space<semaphore_mem>>
      %dma_start3A_397 = arith.constant 0 : i32
      %dma_start3A_398 = tpu.memref_slice %arg18[%dma_start3A_397] : memref<1280000xf32, #tpu.memory_space<vmem_shared>> -> memref<1280000xf32, #tpu.memory_space<vmem_shared>>
      tpu.enqueue_indirect_dma source(%arg13 : memref<128xf32, #tpu.memory_space<vmem>>) target(%dma_start3A_398 : memref<1280000xf32, #tpu.memory_space<vmem_shared>>) offsets(%arg12 : memref<128xi32, #tpu.memory_space<vmem>>) semaphore(%run_scoped3A : memref<!tpu.dma_semaphore, #tpu.memory_space<semaphore_mem>>) {add = true}
      %dma_wait3A_399 = arith.constant 0 : i32
      %dma_wait3A_400 = tpu.memref_slice %arg18[%dma_wait3A_399] : memref<1280000xf32, #tpu.memory_space<vmem_shared>> -> memref<1280000xf32, #tpu.memory_space<vmem_shared>>
      tpu.wait_indirect_dma semaphore(%run_scoped3A : memref<!tpu.dma_semaphore, #tpu.memory_space<semaphore_mem>>) src(%arg13 : memref<128xf32, #tpu.memory_space<vmem>>) dst(%dma_wait3A_400 : memref<1280000xf32, #tpu.memory_space<vmem_shared>>)
      tpu.yield
    }) : () -> ()
    %dma_wait3A_388 = arith.constant 0 : i32
    %dma_wait3A_389 = tpu.memref_slice %arg2[%dma_wait3A_388] : memref<2560000xf32, #tpu.memory_space<hbm>> -> memref<2560000xf32, #tpu.memory_space<hbm>>
    tpu.wait_indirect_dma semaphore(%arg19 : memref<!tpu.dma_semaphore, #tpu.memory_space<semaphore_mem>>) src(%dma_wait3A_389 : memref<2560000xf32, #tpu.memory_space<hbm>>) dst(%arg16 : memref<32xf32, #tpu.memory_space<vmem>>)
    "tpu.region"() ({
      %run_scoped3A = tpu.sem_alloc : memref<!tpu.dma_semaphore, #tpu.memory_space<semaphore_mem>>
      %dma_start3A_397 = arith.constant 0 : i32
      %dma_start3A_398 = tpu.memref_slice %arg18[%dma_start3A_397] : memref<1280000xf32, #tpu.memory_space<vmem_shared>> -> memref<1280000xf32, #tpu.memory_space<vmem_shared>>
      tpu.enqueue_indirect_dma source(%arg16 : memref<32xf32, #tpu.memory_space<vmem>>) target(%dma_start3A_398 : memref<1280000xf32, #tpu.memory_space<vmem_shared>>) offsets(%arg15 : memref<32xi32, #tpu.memory_space<vmem>>) semaphore(%run_scoped3A : memref<!tpu.dma_semaphore, #tpu.memory_space<semaphore_mem>>) {add = true}
      %dma_wait3A_399 = arith.constant 0 : i32
      %dma_wait3A_400 = tpu.memref_slice %arg18[%dma_wait3A_399] : memref<1280000xf32, #tpu.memory_space<vmem_shared>> -> memref<1280000xf32, #tpu.memory_space<vmem_shared>>
      tpu.wait_indirect_dma semaphore(%run_scoped3A : memref<!tpu.dma_semaphore, #tpu.memory_space<semaphore_mem>>) src(%arg16 : memref<32xf32, #tpu.memory_space<vmem>>) dst(%dma_wait3A_400 : memref<1280000xf32, #tpu.memory_space<vmem_shared>>)
      tpu.yield
    }) : () -> ()
    %barrier3A_390 = arith.constant 0 : index
    tpu.barrier barrier_id(%barrier3A_390)
    %scan3A_391 = arith.constant 0 : i32
    %scan3A_392 = arith.constant 0 : i32
    %scan3A_393 = arith.constant 10 : i32
    %scan3A_394 = arith.addi %scan3A_392, %scan3A_393 : i32
    %scan3A_395 = arith.constant 1 : i32
    scf.for %scan3A_397 = %scan3A_392 to %scan3A_394 step %scan3A_395  : i32 {
      %mul3A_398 = arith.constant 80000 : i32
      %mul3A_399 = arith.muli %arg1, %mul3A_398 : i32
      %mul3A_400 = arith.constant 8000 : i32
      %mul3A_401 = arith.muli %scan3A_397, %mul3A_400 : i32
      %add3A_402 = arith.addi %mul3A_399, %mul3A_401 : i32
      "tpu.region"() ({
        %run_scoped3A = tpu.sem_alloc : memref<!tpu.dma_semaphore, #tpu.memory_space<semaphore_mem>>
        %dma_start3A_406 = tpu.memref_slice %arg18[%add3A_402] : memref<1280000xf32, #tpu.memory_space<vmem_shared>> -> memref<8000xf32, #tpu.memory_space<vmem_shared>>
        %dma_start3A_407 = tpu.memref_slice %arg18[%add3A_402] : memref<1280000xf32, #tpu.memory_space<vmem_shared>> -> memref<8000xf32, #tpu.memory_space<vmem_shared>>
        tpu.enqueue_dma source(%dma_start3A_407 : memref<8000xf32, #tpu.memory_space<vmem_shared>>) target(%arg17 : memref<8000xf32, #tpu.memory_space<vmem>>) target_semaphore(%run_scoped3A : memref<!tpu.dma_semaphore, #tpu.memory_space<semaphore_mem>>)
        %dma_wait3A_408 = tpu.memref_slice %arg18[%add3A_402] : memref<1280000xf32, #tpu.memory_space<vmem_shared>> -> memref<8000xf32, #tpu.memory_space<vmem_shared>>
        %dma_wait3A_409 = tpu.memref_slice %arg18[%add3A_402] : memref<1280000xf32, #tpu.memory_space<vmem_shared>> -> memref<8000xf32, #tpu.memory_space<vmem_shared>>
        tpu.wait_dma2 semaphore(%run_scoped3A : memref<!tpu.dma_semaphore, #tpu.memory_space<semaphore_mem>>) src(%dma_wait3A_409 : memref<8000xf32, #tpu.memory_space<vmem_shared>>) dst(%arg17 : memref<8000xf32, #tpu.memory_space<vmem>>)
        tpu.yield
      }) : () -> ()
      %mul3A_403 = arith.constant 1280000 : i32
      %mul3A_404 = arith.muli %arg0, %mul3A_403 : i32
      %add3A_405 = arith.addi %mul3A_404, %add3A_402 : i32
      "tpu.region"() ({
        %run_scoped3A = tpu.sem_alloc : memref<!tpu.dma_semaphore, #tpu.memory_space<semaphore_mem>>
        %dma_start3A_406 = tpu.memref_slice %arg5[%add3A_405] : memref<2560000xf32, #tpu.memory_space<hbm>> -> memref<8000xf32, #tpu.memory_space<hbm>>
        %dma_start3A_407 = tpu.memref_slice %arg5[%add3A_405] : memref<2560000xf32, #tpu.memory_space<hbm>> -> memref<8000xf32, #tpu.memory_space<hbm>>
        tpu.enqueue_dma source(%arg17 : memref<8000xf32, #tpu.memory_space<vmem>>) target(%dma_start3A_407 : memref<8000xf32, #tpu.memory_space<hbm>>) target_semaphore(%run_scoped3A : memref<!tpu.dma_semaphore, #tpu.memory_space<semaphore_mem>>)
        %dma_wait3A_408 = tpu.memref_slice %arg5[%add3A_405] : memref<2560000xf32, #tpu.memory_space<hbm>> -> memref<8000xf32, #tpu.memory_space<hbm>>
        %dma_wait3A_409 = tpu.memref_slice %arg5[%add3A_405] : memref<2560000xf32, #tpu.memory_space<hbm>> -> memref<8000xf32, #tpu.memory_space<hbm>>
        tpu.wait_dma2 semaphore(%run_scoped3A : memref<!tpu.dma_semaphore, #tpu.memory_space<semaphore_mem>>) src(%arg17 : memref<8000xf32, #tpu.memory_space<vmem>>) dst(%dma_wait3A_409 : memref<8000xf32, #tpu.memory_space<hbm>>)
        tpu.yield
      }) : () -> ()
    }
    %scan3A_396 = arith.constant 10 : i32
    return
  }
}

module attributes {stable_mosaic.version = 14 : i64} {
  func.func @_tc_body(%arg0: i32, %arg1: i32, %arg2: memref<1000x128xf32, #tpu.memory_space<vmem>>, %arg3: memref<1000x128xf32, #tpu.memory_space<vmem>>, %arg4: memref<1x128x128xf32, #tpu.memory_space<vmem>>, %arg5: memref<1x1x128xf32, #tpu.memory_space<vmem>>, %arg6: memref<1000x128xf32, #tpu.memory_space<vmem>>, %arg7: memref<128x128xf32, #tpu.memory_space<vmem>>, %arg8: memref<128x1xf32, #tpu.memory_space<vmem>>) attributes {dimension_semantics = [#tpu.dimension_semantics<arbitrary>, #tpu.dimension_semantics<arbitrary>], iteration_bounds = array<i64: 2, 10>, scalar_prefetch = 0 : i64, scratch_operands = 2 : i64, tpu.core_type = #tpu.core_type<tc>, window_params = [{transform_indices = @transform_0, window_bounds = array<i64: 1000, 128>}, {transform_indices = @transform_1, window_bounds = array<i64: 1000, 128>}, {transform_indices = @transform_2, window_bounds = array<i64: 1, 128, 128>}, {transform_indices = @transform_3, window_bounds = array<i64: 1, 1, 128>}, {transform_indices = @transform_4, window_bounds = array<i64: 1000, 128>}]} {
    %eq3A = arith.constant 0 : i32
    %eq3A_0 = arith.cmpi eq, %arg1, %eq3A : i32
    %convert_element_type3A = arith.extui %eq3A_0 : i1 to i32
    %cond3A = arith.constant 0 : i32
    %cond3A_1 = arith.cmpi ne, %convert_element_type3A, %cond3A : i32
    scf.if %cond3A_1 {
      %broadcast_in_dim3A_37 = arith.constant 0.000000e+00 : f32
      %broadcast_in_dim3A_38 = vector.broadcast %broadcast_in_dim3A_37 : f32 to vector<128x128xf32>
      %swap3A_39 = arith.constant 0 : index
      %swap3A_40 = arith.constant 0 : index
      %swap3A_41 = vector.load %arg7[%swap3A_39, %swap3A_40] : memref<128x128xf32, #tpu.memory_space<vmem>>, vector<128x128xf32>
      tpu.vector_store %arg7[%swap3A_39, %swap3A_40], %broadcast_in_dim3A_38 {strides = array<i32>} : memref<128x128xf32, #tpu.memory_space<vmem>>, vector<128x128xf32>,
      %broadcast_in_dim3A_42 = arith.constant 0.000000e+00 : f32
      %broadcast_in_dim3A_43 = vector.broadcast %broadcast_in_dim3A_42 : f32 to vector<128x1xf32>
      %swap3A_44 = arith.constant 0 : index
      %swap3A_45 = arith.constant 0 : index
      %swap3A_46 = vector.load %arg8[%swap3A_44, %swap3A_45] : memref<128x1xf32, #tpu.memory_space<vmem>>, vector<128x1xf32>
      tpu.vector_store %arg8[%swap3A_44, %swap3A_45], %broadcast_in_dim3A_43 {strides = array<i32>} : memref<128x1xf32, #tpu.memory_space<vmem>>, vector<128x1xf32>,
    } else {
    }
    %get3A = arith.constant 0 : index
    %get3A_2 = arith.constant 0 : index
    %get3A_3 = vector.load %arg2[%get3A, %get3A_2] : memref<1000x128xf32, #tpu.memory_space<vmem>>, vector<1000x128xf32>
    %get3A_4 = arith.constant 0 : index
    %get3A_5 = arith.constant 0 : index
    %get3A_6 = vector.load %arg3[%get3A_4, %get3A_5] : memref<1000x128xf32, #tpu.memory_space<vmem>>, vector<1000x128xf32>
    %get3A_7 = arith.constant 0 : index
    %get3A_8 = arith.constant 0 : index
    %get3A_9 = arith.constant 0 : index
    %get3A_10 = vector.load %arg4[%get3A_7, %get3A_8, %get3A_9] : memref<1x128x128xf32, #tpu.memory_space<vmem>>, vector<1x128x128xf32>
    %get3A_11 = vector.shape_cast %get3A_10 : vector<1x128x128xf32> to vector<128x128xf32>
    %get3A_12 = arith.constant 0 : index
    %get3A_13 = arith.constant 0 : index
    %get3A_14 = arith.constant 0 : index
    %get3A_15 = vector.load %arg5[%get3A_12, %get3A_13, %get3A_14] : memref<1x1x128xf32, #tpu.memory_space<vmem>>, vector<1x1x128xf32>
    %get3A_16 = vector.shape_cast %get3A_15 : vector<1x1x128xf32> to vector<1x128xf32>
    %dot_general3A = arith.constant dense<0.000000e+00> : vector<1000x128xf32>
    %dot_general3A_17 = tpu.matmul %get3A_3, %get3A_11, %dot_general3A {dimension_numbers = #tpu.dot_dimension_numbers<[1], [0], [0], [1], [0, 0, 1, 1], [], []>, transpose_lhs_hint = false} : vector<1000x128xf32>, vector<128x128xf32>, vector<1000x128xf32> -> vector<1000x128xf32>
    %dot_general3A_18 = arith.constant dense<0.000000e+00> : vector<128x128xf32>
    %dot_general3A_19 = tpu.matmul %get3A_6, %dot_general3A_17, %dot_general3A_18 {dimension_numbers = #tpu.dot_dimension_numbers<[0], [0], [1], [1], [0, 1, 1, 1], [], []>, transpose_lhs_hint = false} : vector<1000x128xf32>, vector<1000x128xf32>, vector<128x128xf32> -> vector<128x128xf32>
    %broadcast_in_dim3A = arith.constant 1.000000e+00 : f32
    %broadcast_in_dim3A_20 = vector.broadcast %broadcast_in_dim3A : f32 to vector<1000x1xf32>
    %dot_general3A_21 = arith.constant dense<0.000000e+00> : vector<128x1xf32>
    %dot_general3A_22 = tpu.matmul %get3A_6, %broadcast_in_dim3A_20, %dot_general3A_21 {dimension_numbers = #tpu.dot_dimension_numbers<[0], [0], [1], [1], [0, 1, 1, 1], [], []>, transpose_lhs_hint = false} : vector<1000x128xf32>, vector<1000x1xf32>, vector<128x1xf32> -> vector<128x1xf32>
    %add3A = vector.broadcast %get3A_16 : vector<1x128xf32> to vector<1000x128xf32>
    %add3A_23 = arith.addf %dot_general3A_17, %add3A : vector<1000x128xf32>
    %max3A = arith.constant 0.000000e+00 : f32
    %max3A_24 = vector.broadcast %max3A : f32 to vector<1000x128xf32>
    %max3A_25 = arith.maximumf %add3A_23, %max3A_24 : vector<1000x128xf32>
    %swap3A = arith.constant 0 : index
    %swap3A_26 = arith.constant 0 : index
    %swap3A_27 = vector.load %arg6[%swap3A, %swap3A_26] : memref<1000x128xf32, #tpu.memory_space<vmem>>, vector<1000x128xf32>
    tpu.vector_store %arg6[%swap3A, %swap3A_26], %max3A_25 {strides = array<i32>} : memref<1000x128xf32, #tpu.memory_space<vmem>>, vector<1000x128xf32>,
    %lt3A = arith.constant 9 : i32
    %lt3A_28 = arith.cmpi slt, %arg1, %lt3A : i32
    %convert_element_type3A_29 = arith.extui %lt3A_28 : i1 to i32
    %cond3A_30 = arith.constant 0 : i32
    %cond3A_31 = arith.cmpi ne, %convert_element_type3A_29, %cond3A_30 : i32
    scf.if %cond3A_31 {
      %get3A_37 = arith.constant 0 : index
      %get3A_38 = arith.constant 0 : index
      %get3A_39 = vector.load %arg7[%get3A_37, %get3A_38] : memref<128x128xf32, #tpu.memory_space<vmem>>, vector<128x128xf32>
      %add3A_40 = arith.addf %get3A_39, %dot_general3A_19 : vector<128x128xf32>
      %swap3A_41 = arith.constant 0 : index
      %swap3A_42 = arith.constant 0 : index
      %swap3A_43 = vector.load %arg7[%swap3A_41, %swap3A_42] : memref<128x128xf32, #tpu.memory_space<vmem>>, vector<128x128xf32>
      tpu.vector_store %arg7[%swap3A_41, %swap3A_42], %add3A_40 {strides = array<i32>} : memref<128x128xf32, #tpu.memory_space<vmem>>, vector<128x128xf32>,
      %get3A_44 = arith.constant 0 : index
      %get3A_45 = arith.constant 0 : index
      %get3A_46 = vector.load %arg8[%get3A_44, %get3A_45] : memref<128x1xf32, #tpu.memory_space<vmem>>, vector<128x1xf32>
      %add3A_47 = arith.addf %get3A_46, %dot_general3A_22 : vector<128x1xf32>
      %swap3A_48 = arith.constant 0 : index
      %swap3A_49 = arith.constant 0 : index
      %swap3A_50 = vector.load %arg8[%swap3A_48, %swap3A_49] : memref<128x1xf32, #tpu.memory_space<vmem>>, vector<128x1xf32>
      tpu.vector_store %arg8[%swap3A_48, %swap3A_49], %add3A_47 {strides = array<i32>} : memref<128x1xf32, #tpu.memory_space<vmem>>, vector<128x1xf32>,
    } else {
    }
    %eq3A_32 = arith.constant 9 : i32
    %eq3A_33 = arith.cmpi eq, %arg1, %eq3A_32 : i32
    %convert_element_type3A_34 = arith.extui %eq3A_33 : i1 to i32
    %cond3A_35 = arith.constant 0 : i32
    %cond3A_36 = arith.cmpi ne, %convert_element_type3A_34, %cond3A_35 : i32
    scf.if %cond3A_36 {
      %get3A_37 = arith.constant 0 : index
      %get3A_38 = arith.constant 0 : index
      %get3A_39 = vector.load %arg8[%get3A_37, %get3A_38] : memref<128x1xf32, #tpu.memory_space<vmem>>, vector<128x1xf32>
      %add3A_40 = arith.addf %get3A_39, %dot_general3A_22 : vector<128x1xf32>
      %add3A_41 = arith.constant 1.000000e+00 : f32
      %add3A_42 = vector.broadcast %add3A_41 : f32 to vector<128x1xf32>
      %add3A_43 = arith.addf %add3A_40, %add3A_42 : vector<128x1xf32>
      %rsqrt3A = math.rsqrt %add3A_43 : vector<128x1xf32>
      %slice3A = vector.extract_strided_slice %dot_general3A_17 {offsets = [0, 0], sizes = [128, 128], strides = [1, 1]} : vector<1000x128xf32> to vector<128x128xf32>
      %slice3A_44 = vector.extract_strided_slice %get3A_6 {offsets = [0, 0], sizes = [128, 128], strides = [1, 1]} : vector<1000x128xf32> to vector<128x128xf32>
      %get3A_45 = arith.constant 0 : index
      %get3A_46 = arith.constant 0 : index
      %get3A_47 = vector.load %arg7[%get3A_45, %get3A_46] : memref<128x128xf32, #tpu.memory_space<vmem>>, vector<128x128xf32>
      %add3A_48 = arith.addf %get3A_47, %dot_general3A_19 : vector<128x128xf32>
      %sub3A = arith.constant 1.000000e+00 : f32
      %sub3A_49 = vector.broadcast %sub3A : f32 to vector<128x1xf32>
      %sub3A_50 = arith.subf %rsqrt3A, %sub3A_49 : vector<128x1xf32>
      %mul3A = vector.broadcast %sub3A_50 : vector<128x1xf32> to vector<128x128xf32>
      %mul3A_51 = arith.mulf %mul3A, %slice3A : vector<128x128xf32>
      %dot_general3A_52 = arith.constant dense<0.000000e+00> : vector<128x128xf32>
      %dot_general3A_53 = tpu.matmul %slice3A_44, %mul3A_51, %dot_general3A_52 {dimension_numbers = #tpu.dot_dimension_numbers<[0], [0], [1], [1], [0, 1, 1, 1], [], []>, transpose_lhs_hint = false} : vector<128x128xf32>, vector<128x128xf32>, vector<128x128xf32> -> vector<128x128xf32>
      %add3A_54 = arith.addf %add3A_48, %dot_general3A_53 : vector<128x128xf32>
      %mul3A_55 = vector.broadcast %rsqrt3A : vector<128x1xf32> to vector<128x128xf32>
      %mul3A_56 = arith.mulf %mul3A_55, %add3A_54 : vector<128x128xf32>
      %mul3A_57 = arith.mulf %rsqrt3A, %rsqrt3A : vector<128x1xf32>
      %mul3A_58 = vector.broadcast %mul3A_57 : vector<128x1xf32> to vector<128x128xf32>
      %mul3A_59 = arith.mulf %mul3A_58, %slice3A : vector<128x128xf32>
      %add3A_60 = arith.addf %mul3A_56, %mul3A_59 : vector<128x128xf32>
      %add3A_61 = vector.broadcast %get3A_16 : vector<1x128xf32> to vector<128x128xf32>
      %add3A_62 = arith.addf %add3A_60, %add3A_61 : vector<128x128xf32>
      %max3A_63 = arith.constant 0.000000e+00 : f32
      %max3A_64 = vector.broadcast %max3A_63 : f32 to vector<128x128xf32>
      %max3A_65 = arith.maximumf %add3A_62, %max3A_64 : vector<128x128xf32>
      %swap3A_66 = arith.constant 0 : index
      %swap3A_67 = arith.constant 0 : index
      %swap3A_68 = vector.load %arg6[%swap3A_66, %swap3A_67] : memref<1000x128xf32, #tpu.memory_space<vmem>>, vector<128x128xf32>
      tpu.vector_store %arg6[%swap3A_66, %swap3A_67], %max3A_65 {strides = array<i32>} : memref<1000x128xf32, #tpu.memory_space<vmem>>, vector<128x128xf32>,
    } else {
    }
    return
  }
  func.func @transform_0(%arg0: i32, %arg1: i32) -> (i32, i32) {
    %mul3A = arith.constant 10 : i32
    %mul3A_0 = arith.muli %arg0, %mul3A : i32
    %add3A = arith.constant 1 : i32
    %add3A_1 = arith.addi %arg1, %add3A : i32
    %jit3A = arith.constant 10 : i32
    %eq3A = arith.constant 0 : i32
    %eq3A_2 = arith.cmpi eq, %jit3A, %eq3A : i32
    %jit3A_3 = arith.constant 1 : i32
    %select_n3A = arith.select %eq3A_2, %jit3A_3, %jit3A : i32
    %rem3A = arith.remsi %add3A_1, %select_n3A : i32
    %ne3A = arith.constant 0 : i32
    %ne3A_4 = arith.cmpi ne, %rem3A, %ne3A : i32
    %lt3A = arith.constant 0 : i32
    %lt3A_5 = arith.cmpi slt, %rem3A, %lt3A : i32
    %lt3A_6 = arith.constant 0 : i32
    %lt3A_7 = arith.cmpi slt, %select_n3A, %lt3A_6 : i32
    %ne3A_8 = arith.xori %lt3A_5, %lt3A_7 : i1
    %and3A = arith.andi %ne3A_8, %ne3A_4 : i1
    %add3A_9 = arith.addi %rem3A, %select_n3A : i32
    %select_n3A_10 = arith.select %and3A, %add3A_9, %rem3A : i32
    %add3A_11 = arith.addi %mul3A_0, %select_n3A_10 : i32
    %c0_i32 = arith.constant 0 : i32
    %c0_i32_12 = arith.constant 0 : i32
    return %add3A_11, %c0_i32 : i32, i32
  }
  func.func @transform_1(%arg0: i32, %arg1: i32) -> (i32, i32) {
    %mul3A = arith.constant 10 : i32
    %mul3A_0 = arith.muli %arg0, %mul3A : i32
    %add3A = arith.constant 1 : i32
    %add3A_1 = arith.addi %arg1, %add3A : i32
    %jit3A = arith.constant 10 : i32
    %eq3A = arith.constant 0 : i32
    %eq3A_2 = arith.cmpi eq, %jit3A, %eq3A : i32
    %jit3A_3 = arith.constant 1 : i32
    %select_n3A = arith.select %eq3A_2, %jit3A_3, %jit3A : i32
    %rem3A = arith.remsi %add3A_1, %select_n3A : i32
    %ne3A = arith.constant 0 : i32
    %ne3A_4 = arith.cmpi ne, %rem3A, %ne3A : i32
    %lt3A = arith.constant 0 : i32
    %lt3A_5 = arith.cmpi slt, %rem3A, %lt3A : i32
    %lt3A_6 = arith.constant 0 : i32
    %lt3A_7 = arith.cmpi slt, %select_n3A, %lt3A_6 : i32
    %ne3A_8 = arith.xori %lt3A_5, %lt3A_7 : i1
    %and3A = arith.andi %ne3A_8, %ne3A_4 : i1
    %add3A_9 = arith.addi %rem3A, %select_n3A : i32
    %select_n3A_10 = arith.select %and3A, %add3A_9, %rem3A : i32
    %add3A_11 = arith.addi %mul3A_0, %select_n3A_10 : i32
    %c0_i32 = arith.constant 0 : i32
    %c0_i32_12 = arith.constant 0 : i32
    return %add3A_11, %c0_i32 : i32, i32
  }
  func.func @transform_2(%arg0: i32, %arg1: i32) -> (i32, i32, i32) {
    %c0_i32 = arith.constant 0 : i32
    %c0_i32_0 = arith.constant 0 : i32
    %c0_i32_1 = arith.constant 0 : i32
    return %arg0, %c0_i32, %c0_i32_0 : i32, i32, i32
  }
  func.func @transform_3(%arg0: i32, %arg1: i32) -> (i32, i32, i32) {
    %c0_i32 = arith.constant 0 : i32
    %c0_i32_0 = arith.constant 0 : i32
    %c0_i32_1 = arith.constant 0 : i32
    return %arg0, %c0_i32, %c0_i32_0 : i32, i32, i32
  }
  func.func @transform_4(%arg0: i32, %arg1: i32) -> (i32, i32) {
    %mul3A = arith.constant 10 : i32
    %mul3A_0 = arith.muli %arg0, %mul3A : i32
    %add3A = arith.constant 1 : i32
    %add3A_1 = arith.addi %arg1, %add3A : i32
    %jit3A = arith.constant 10 : i32
    %eq3A = arith.constant 0 : i32
    %eq3A_2 = arith.cmpi eq, %jit3A, %eq3A : i32
    %jit3A_3 = arith.constant 1 : i32
    %select_n3A = arith.select %eq3A_2, %jit3A_3, %jit3A : i32
    %rem3A = arith.remsi %add3A_1, %select_n3A : i32
    %ne3A = arith.constant 0 : i32
    %ne3A_4 = arith.cmpi ne, %rem3A, %ne3A : i32
    %lt3A = arith.constant 0 : i32
    %lt3A_5 = arith.cmpi slt, %rem3A, %lt3A : i32
    %lt3A_6 = arith.constant 0 : i32
    %lt3A_7 = arith.cmpi slt, %select_n3A, %lt3A_6 : i32
    %ne3A_8 = arith.xori %lt3A_5, %lt3A_7 : i1
    %and3A = arith.andi %ne3A_8, %ne3A_4 : i1
    %add3A_9 = arith.addi %rem3A, %select_n3A : i32
    %select_n3A_10 = arith.select %and3A, %add3A_9, %rem3A : i32
    %add3A_11 = arith.addi %mul3A_0, %select_n3A_10 : i32
    %c0_i32 = arith.constant 0 : i32
    %c0_i32_12 = arith.constant 0 : i32
    return %add3A_11, %c0_i32 : i32, i32
  }
}

</mosaic_0001>

<sc_bundles>
// kernel: kernel.4.cloned.1.call-start
scs
__scs_entry_jumppad:
0x0: {  	(pc) =	sbr.rel $0x88, $3  }
0x1: {  	(tag) =	ssettag $0x0;
	lr =	simm.s32 $0x1  }
0x2: {  	[smem:$0x3F99] =	sst lr;
	_ =	strace $0xD0000000  }
0x3: {  	_ = 	snop  }
0x4: {  	_ = 	snop  }
0x5: {  	_ = 	snop  }
0x6: {  	_ = 	snop  }
0x7: {  	_ = 	snop  }
__scs_overlays_trampoline_lowered:
0x8: {  	[smem:$0x3FA8] =	sst s0  }
0x9: {  	[smem:$0x3FA9] =	sst s1  }
0xa: {  	[smem:$0x3FAA] =	sst s2  }
0xb: {  	[smem:$0x3FAB] =	sst s3  }
0xc: {  	[smem:$0x3FAC] =	sst s4  }
0xd: {  	[smem:$0x3FAD] =	sst s5  }
0xe: {  	[smem:$0x3FAE] =	sst s6  }
0xf: {  	[smem:$0x3FAF] =	sst s7  }
0x10: {  	[smem:$0x3FB0] =	sst s8  }
0x11: {  	[smem:$0x3FB1] =	sst s9;
	s0 =	simm.s32 @!p0 $0x0  }
0x12: {  	s1 =	sld [smem:$0x3F97];
	s0 =	simm.s32 @p0 $0x1  }
0x13: {  	[smem:$0x3FB2] =	sst s0;
	s0 =	simm.s32 @!p1 $0x0  }
0x14: {  	s2 =	sld [smem:$0x3F96];
	s0 =	simm.s32 @p1 $0x1  }
0x15: {  	[smem:$0x3FB3] =	sst s0;
	s0 =	simm.s32 @!p2 $0x0  }
0x16: {  	s3 =	sld [smem:$0x3FDB];
	s0 =	simm.s32 @p2 $0x1  }
0x17: {  	s4 =	simm.s32 $0x1BF5;
	[smem:$0x3FB5] =	sst s0  }
0x18: {  	s0 =	sld [smem:$0x3F98];
	_ =	swait.ge [sflag:s4], $0x0  }
0x19: {  	s7 =	sld [smem:$0x3F99]  }
0x1a: {  	s8 =	sadd.s32 $0xFFFFE003, lr  }
0x1b: {  	s9 =	sadd.s32 $0xFFFFFEF7, lr;
	s5 =	simm.s32 $0xFFFFFFFF;
	p2 =	slt.u32 s8, $0xFFFFF086  }
0x1c: {  	p1 =	slt.u32 s9, $0xF7A;
	s5 =	simm.s32 @!p2 $0x0  }
0x1d: {  	s5 =	simm.s32 @p1 $0x1;
	p0 =	seq.s32 s7, s2  }
0x1e: {  	s7 =	smul.u32 @!p0 $0xF7A, s2;
	p2 =	seq.s32 @!p0 s5, $0x0  }
0x1f: {  	s9 =	smul.u32 $0xF7A, s1;
	s8 =	simm.s32 @!p0 $0x1BF5;
	p2 =	por !p2, p0  }
0x20: {  	[sflag:s8] =	ssyncset.s32 @!p0 $0xFFFFF086;
	s6 =	sadd.s32 @!p0 s3, s7;
	s7 =	simm.s32 @!p0 $0x108  }
0x21: {  	s3 =	sadd.s32 s3, s9;
	s6 =	sadd.s32 @!p0 $0x88, s6;
	s7 =	simm.s32 @p2 $0x1082  }
0x22: {  	[simem:s7], [sflag:s8] =	dma.local @!p0 [hbm:s6], $0xF7A  }
0x23: {  	s9 =	sor.u32 $0xD0000000, s2;
	s6 =	simm.s32 $0x108;
	_ =	swait.ge @!p0 [sflag:s8], $0x0  }
0x24: {  	s3 =	sadd.s32 $0x88, s3;
	s6 =	simm.s32 @!p1 $0x1082;
	[sflag:s4] =	ssyncset.s32 $0xFFFFF086  }
0x25: {  	[simem:s6], [sflag:s4] =	dma.local [hbm:s3], $0xF7A  }
0x26: {  	[smem:$0x3F99] =	sst s1;
	(tag) =	ssettag s2;
	_ =	strace s9  }
0x27: {  	s1 =	sld [smem:$0x3FA9]  }
0x28: {  	s2 =	sld [smem:$0x3FAA]  }
0x29: {  	s4 =	sld [smem:$0x3FAC]  }
0x2a: {  	p0 =	seq.s32 s5, $0x0;
	s5 =	sld [smem:$0x3FAD]  }
0x2b: {  	s6 =	sld [smem:$0x3FAE]  }
0x2c: {  	s7 =	sld [smem:$0x3FAF]  }
0x2d: {  	s3 =	simm.s32 $0x108;
	s8 =	sld [smem:$0x3FB0]  }
0x2e: {  	s3 =	simm.s32 @!p0 $0x1082;
	s9 =	sld [smem:$0x3FB1]  }
0x2f: {  	lr =	sadd.s32 s0, s3;
	s0 =	sld [smem:$0x3FA8]  }
0x30: {  	s3 =	sld [smem:$0x3FAB]  }
0x31: {  	[smem:$0x3FB4] =	sst s10  }
0x32: {  	s10 =	sld [smem:$0x3FB2];
	_ =	sdelay $0x3  }
0x33: {  	p0 =	seq.s32 s10, $0x1;
	s10 =	sld [smem:$0x3FB4];
	_ =	sdelay $0x3  }
0x34: {  	[smem:$0x3FB4] =	sst s10  }
0x35: {  	s10 =	sld [smem:$0x3FB3];
	_ =	sdelay $0x3  }
0x36: {  	p1 =	seq.s32 s10, $0x1;
	s10 =	sld [smem:$0x3FB4];
	_ =	sdelay $0x3  }
0x37: {  	[smem:$0x3FB4] =	sst s10  }
0x38: {  	s10 =	sld [smem:$0x3FB5]  }
0x39: {  	_ = 	snop;
	(pc) =	sbr.ind lr, $3  }
0x3a: {  	_ = 	snop  }
0x3b: {  	_ = 	snop  }
0x3c: {  	p2 =	seq.s32 s10, $0x1;
	s10 =	sld [smem:$0x3FB4]  }
0x3d: {  	_ =	shalt  }
0x3e: {  	_ =	shalt  }
0x3f: {  	_ =	shalt  }
0x40: {  	_ =	shalt  }
0x41: {  	_ =	shalt  }
0x42: {  	_ =	shalt  }
0x43: {  	_ =	shalt  }
0x44: {  	_ =	shalt  }
0x45: {  	_ =	shalt  }
0x46: {  	_ =	shalt  }
0x47: {  	_ =	shalt  }
0x48: {  	_ =	shalt  }
0x49: {  	_ =	shalt  }
0x4a: {  	_ =	shalt  }
0x4b: {  	_ =	shalt  }
0x4c: {  	_ =	shalt  }
0x4d: {  	_ =	shalt  }
0x4e: {  	_ =	shalt  }
0x4f: {  	_ =	shalt  }
0x50: {  	_ =	shalt  }
0x51: {  	_ =	shalt  }
0x52: {  	_ =	shalt  }
0x53: {  	_ =	shalt  }
0x54: {  	_ =	shalt  }
0x55: {  	_ =	shalt  }
0x56: {  	_ =	shalt  }
0x57: {  	_ =	shalt  }
0x58: {  	_ =	shalt  }
0x59: {  	_ =	shalt  }
0x5a: {  	_ =	shalt  }
0x5b: {  	_ =	shalt  }
0x5c: {  	_ =	shalt  }
0x5d: {  	_ =	shalt  }
0x5e: {  	_ =	shalt  }
0x5f: {  	_ =	shalt  }
0x60: {  	_ =	shalt  }
0x61: {  	_ =	shalt  }
0x62: {  	_ =	shalt  }
0x63: {  	_ =	shalt  }
0x64: {  	_ =	shalt  }
0x65: {  	_ =	shalt  }
0x66: {  	_ =	shalt  }
0x67: {  	_ =	shalt  }
0x68: {  	_ =	shalt  }
0x69: {  	_ =	shalt  }
0x6a: {  	_ =	shalt  }
0x6b: {  	_ =	shalt  }
0x6c: {  	_ =	shalt  }
0x6d: {  	_ =	shalt  }
0x6e: {  	_ =	shalt  }
0x6f: {  	_ =	shalt  }
0x70: {  	_ =	shalt  }
0x71: {  	_ =	shalt  }
0x72: {  	_ =	shalt  }
0x73: {  	_ =	shalt  }
0x74: {  	_ =	shalt  }
0x75: {  	_ =	shalt  }
0x76: {  	_ =	shalt  }
0x77: {  	_ =	shalt  }
0x78: {  	_ =	shalt  }
0x79: {  	_ =	shalt  }
0x7a: {  	_ =	shalt  }
0x7b: {  	_ =	shalt  }
0x7c: {  	_ =	shalt  }
0x7d: {  	_ =	shalt  }
0x7e: {  	_ =	shalt  }
0x7f: {  	_ =	shalt  }
0x80: {  	_ =	shalt  }
0x81: {  	_ =	shalt  }
0x82: {  	_ =	shalt  }
0x83: {  	_ =	shalt  }
0x84: {  	_ =	shalt  }
0x85: {  	_ =	shalt  }
0x86: {  	_ =	shalt  }
0x87: {  	_ =	shalt  }
.Lfunc_end0:
.L_simem_size_0:
called_computation_lowered:
.L_overlay_start_0:
0x88: {  	s2 =	sld [smem:$0x3FD9]  }
0x89: {  	s3 =	sld [smem:$0x3FFE];
	_ =	sdelay $0x1  }
0x8a: {  	s1 =	srdreg.scid  }
0x8b: {  	s0 =	sand.u32 $0x1, s1  }
0x8c: {  	s14 =	sshll.u32 s0, $0xA;
	s2 =	sadd.s32 s3, s2  }
0x8d: {  	s2 =	sadd.s32 s2, s14  }
0x8e: {  	[smem:$0x3FC0] =	sst s2  }
0x8f: {  	_ = 	snop  }
0x90: {  	s2 =	sld [smem:$0x3FD0];
	_ =	sdelay $0x2  }
0x91: {  	s15 =	simm.s32 $0xA;
	s4 =	simm.s32 $0x10  }
0x92: {  	[smem:s4], [sflag:s15] =	dma.local [hbm:s2], $0x1  }
0x93: {  	_ =	swait.eq [sflag:s15], $0x1  }
0x94: {  	[sflag:s15] =	ssyncset.done $0x0  }
0x95: {  	s16 =	sld [smem:$0x10];
	[sflag:s15] =	ssyncadd.s32 $0xFFFFFFFF  }
0x96: {  	s17 =	sld [smem:$0x11];
	(tm) =	ssettm $0x1  }
0x97: {  	s18 =	sld [smem:$0x3FFB];
	_ =	sdelay $0x3  }
0x98: {  	_ =	strace s18  }
0x99: {  	s4 =	sld [smem:$0x3FFC];
	_ =	sdelay $0x3  }
0x9a: {  	_ =	strace s4  }
0x9b: {  	s4 =	sld [smem:$0x3FFD];
	_ =	sdelay $0x3  }
0x9c: {  	_ =	strace s4  }
0x9d: {  	_ =	strace $0x8FFFFFFF  }
0x9e: {  	s19 =	sld [smem:$0x3FDB];
	_ =	sdelay $0x1  }
0x9f: {  	s5 =	simm.s32 $_scs_section_size  }
0xa0: {  	s6 =	simm.s32 $_size__tile_overlayer_lowered;
	s7 =	simm.s32 $_tile_overlayer_lowered  }
0xa1: {  	s22 =	simm.s32 $0x1BFF;
	s21 =	sshll.u32 s7, $0x1;
	s4 =	sadd.s32 s5, s19  }
0xa2: {  	s8 =	simm.s32 $0x0;
	s20 =	sshll.u32 s6, $0x1;
	s6 =	sadd.s32 s21, s4  }
0xa3: {  	[timem:s8], [sflag:s22] =	dma.local [hbm:s6], s20  }
0xa4: {  	_ =	swait.ge [sflag:s22], s20  }
0xa5: {  	s5 =	ssub.s32 $0x0, s20;
	[sflag:s22] =	ssyncset.done $0x0  }
0xa6: {  	[sflag:s22] =	ssyncadd.s32 s5;
	_ =	sdelay $0x1  }
0xa7: {  	s23 =	simm.s32 $0x1B8B  }
0xa8: {  	_ =	swait.ge [sflag:s23], $0x1  }
0xa9: {  	[sflag:s23] =	ssyncset.done $0x0  }
0xaa: {  	s25 =	simm.s32 $0x1B8E;
	s24 =	sld [smem:$0x3FFE];
	[sflag:s23] =	ssyncadd.s32 $0xFFFFFFFF  }
0xab: {  	s26 =	simm.s32 $execute0_lowered;
	[smem:$0x3FD2] =	sst s25  }
0xac: {  	s6 =	sshll.u32 s26, $0x1;
	_ =	strace $0x80000046;
	[dreg:$0x1] =	wrdreg $0xFFFFFFFF  }
0xad: {  	s28 =	simm.s32 $_size_execute0_lowered;
	s4 =	sadd.s32 s4, s6;
	[dreg:$0x0] =	wrdreg $0x0  }
0xae: {  	s6 =	sshll.u32 s28, $0x1;
	[dreg:$0x2] =	wrdreg s4  }
0xaf: {  	[dreg:$0x3] =	wrdreg s6  }
0xb0: {  	[dreg:$0x4] =	wrdreg $0xC0  }
0xb1: {  	_ =	task [dreg:s8], $0x5FFFF  }
0xb2: {  	[dreg:$0x1] =	wrdreg $0xFFFFFFFF  }
0xb3: {  	[dreg:$0x0] =	wrdreg $0x60  }
0xb4: {  	[dreg:$0x2] =	wrdreg s24  }
0xb5: {  	[dreg:$0x3] =	wrdreg s16  }
0xb6: {  	[dreg:$0x4] =	wrdreg s17  }
0xb7: {  	[dreg:$0x5] =	wrdreg $0xC1000  }
0xb8: {  	[dreg:$0x6] =	wrdreg $0x9  }
0xb9: {  	_ =	task.clear_ibuf [dreg:s8], $0x7FFFF;
	_ =	strace $0x90000046  }
0xba: {  	s29 =	simm.s32 $0x9;
	_ =	strace $0x80000048  }
0xbb: {  	_ =	swait.ge [sflag:s29], $0x1  }
0xbc: {  	[sflag:s29] =	ssyncadd.s32 $0xFFFFFFFF  }
0xbd: {  	_ =	strace $0x90000048  }
0xbe: {  	_ =	sfence  }
0xbf: {  	s30 =	sld [smem:$0x0];
	_ =	sdelay $0x2  }
0xc0: {  	s31 =	sshll.u32 s1, $0xD;
	s1 =	sshrl.u32 s1, $0x2  }
0xc1: {  	s3 =	sand.u32 $0x4000, s31;
	s1 =	sadd.s32 s1, s30  }
0xc2: {  	s0 =	sor.u32 s3, s0;
	s1 =	sshll.u32 s1, $0x11  }
0xc3: {  	s0 =	sor.u32 s1, s0  }
0xc4: {  	s0 =	sadd.s32 $0x8F2B, s0  }
0xc5: {  	[sflag:s0] =	ssyncadd.remote.s32 $0x1  }
0xc6: {  	_ =	sfence.sel $0xFFFF  }
0xc7: {  	[dreg:$0x0] =	wrdreg $0xFFFFFFFF;
	(pc) =	sbr.abs _section_cstart, $3  }
0xc8: {  	[dreg:$0x1] =	wrdreg $0xFFFFFFFF  }
0xc9: {  	_ =	task.clear_ibuf [dreg:s8], $0x2FFFF;
	_ =	strace $0x9FFFFFFF  }
0xca: {  	(tm) =	ssettm $0x7FFFFFFF  }
0xcb: {  	_ =	shalt  }
tec
execute0_lowered:
.L_overlay_start_1:
0x0: {  	(tag) =	ssettag $0x1  }
0x1: {  	s0 =	rddreg [dreg:$0x0]  }
0x2: {  	s1 =	srdreg.scid;
	s16 =	stileid.u32  }
0x3: {  	s2 =	rddreg [dreg:$0x1];
	s3 =	sand.u32 $0x1, s1;
	s6 =	smul.u32 $0x4E20, s16  }
0x4: {  	s5 =	rddreg [dreg:$0x2];
	s1 =	simm.s32 $0x0;
	s4 =	smul.u32 $0x4E200, s3  }
0x5: {  	s8 =	sadd.s32 $0x4E400, s0;
	[smem:$0x7FF] =	sst s1  }
0x6: {  	s7 =	ssub.s32 $0x2, s3;
	s23 =	smul.u32 $0x138800, s3;
	s4 =	sadd.s32 s6, s4  }
0x7: {  	s10 =	sshrl.u32 s7, $0x1;
	s6 =	smul.u32 $0x13880, s16;
	s4 =	sshrl.u32 s4, $0x3  }
0x8: {  	s3 =	ssub.s32 s7, s10;
	s16 =	smul.u32 $0x4E200, s16;
	s2 =	sadd.s32 s2, s4  }
0x9: {  	s11 =	sadd.s32 s5, s4;
	s12 =	sadd.s32 s23, s6;
	s4 =	sadd.s32 $0x1F40, s6  }
0xa: {  	s7 =	sadd.s32 $0x3E80, s6;
	s5 =	sadd.s32 $0x5DC0, s6;
	s9 =	sadd.s32 $0x7D00, s6  }
0xb: {  	s29 =	sshrl.u32 s16, $0x2;
	s16 =	sadd.s32 $0x200, s0;
	[dreg:$0x5] =	wrdreg s2  }
0xc: {  	[dreg:$0x6] =	wrdreg s11;
	s2 =	sshrl.u32 s12, $0x3;
	s13 =	sadd.s32 s23, s4  }
0xd: {  	s15 =	sadd.s32 s23, s7;
	s18 =	sadd.s32 s23, s5;
	s10 =	sadd.s32 s23, s9  }
0xe: {  	s11 =	sadd.s32 $0x9C40, s6;
	s12 =	sadd.s32 $0xDAC0, s6;
	s2 =	sadd.s32 s8, s2  }
0xf: {  	s14 =	sshrl.u32 s13, $0x3;
	s17 =	sshrl.u32 s15, $0x3;
	s19 =	sshrl.u32 s10, $0x3  }
0x10: {  	s20 =	sadd.s32 s23, s11;
	s10 =	sadd.s32 $0xBB80, s6;
	s13 =	sadd.s32 s23, s12  }
0x11: {  	s15 =	sadd.s32 $0x11940, s6;
	[dreg:$0x7] =	wrdreg s2;
	s2 =	sadd.s32 s8, s14  }
0x12: {  	s21 =	sshrl.u32 s20, $0x3;
	s24 =	sshrl.u32 s13, $0x3;
	s13 =	rddreg [dreg:$0x3]  }
0x13: {  	s22 =	sadd.s32 s23, s10;
	[dreg:$0x8] =	wrdreg s2;
	s2 =	sadd.s32 s8, s17  }
0x14: {  	s14 =	sadd.s32 $0xFA00, s6;
	[dreg:$0x9] =	wrdreg s2;
	s2 =	sshrl.u32 s18, $0x3  }
0x15: {  	s25 =	sadd.s32 s23, s14;
	s17 =	sadd.s32 s23, s15;
	s2 =	sadd.s32 s8, s2  }
0x16: {  	s20 =	sadd.s32 s7, s13;
	[dreg:$0xa] =	wrdreg s2;
	s2 =	sadd.s32 s8, s19  }
0x17: {  	s7 =	simm.s32 $0x3;
	[dreg:$0xb] =	wrdreg s2;
	s2 =	sadd.s32 s8, s21  }
0x18: {  	v0 =	vmov s23;
	s23 =	simm.s32 $0xA100;
	[dreg:$0xc] =	wrdreg s2;
	s2 =	sshrl.u32 s22, $0x3  }
0x19: {  	s26 =	sshrl.u32 s25, $0x3;
	s28 =	sshrl.u32 s17, $0x3;
	s2 =	sadd.s32 s8, s2  }
0x1a: {  	s17 =	sadd.s32 s29, s13;
	[dreg:$0xd] =	wrdreg s2;
	s2 =	sadd.s32 s8, s24  }
0x1b: {  	s18 =	smax.u32 s3, $0x1;
	[dreg:$0xe] =	wrdreg s2;
	s2 =	sadd.s32 s8, s26  }
0x1c: {  	s25 =	sadd.s32 s10, s13;
	[dreg:$0xf] =	wrdreg s2;
	s2 =	sadd.s32 s8, s28  }
0x1d: {  	s29 =	sadd.s32 s15, s13;
	s8 =	sadd.s32 s6, s13;
	[dreg:$0x10] =	wrdreg s2  }
0x1e: {  	s10 =	simm.s32 $0x9D00;
	_ =	strace $0x80000047;
	[dreg:$0x11] =	wrdreg s8  }
0x1f: {  	s15 =	simm.s32 $0x9F80;
	s19 =	sadd.s32 s4, s13;
	[dreg:$0x12] =	wrdreg s18  }
0x20: {  	s30 =	sadd.s32 $0x1F40, s17;
	s31 =	sadd.s32 $0x3E80, s17;
	[dreg:$0x13] =	wrdreg s19  }
0x21: {  	s0 =	sadd.s32 $0x7D00, s17;
	s21 =	sadd.s32 s5, s13;
	[dreg:$0x14] =	wrdreg s20  }
0x22: {  	s3 =	sadd.s32 $0xBB80, s17;
	s22 =	sadd.s32 s9, s13;
	[dreg:$0x15] =	wrdreg s21  }
0x23: {  	s4 =	sadd.s32 $0xDAC0, s17;
	s24 =	sadd.s32 s11, s13;
	[dreg:$0x16] =	wrdreg s22  }
0x24: {  	s5 =	sadd.s32 $0xFA00, s17;
	s9 =	simm.s32 $0x80;
	[dreg:$0x17] =	wrdreg s24  }
0x25: {  	s11 =	simm.s32 $0x9E00;
	s26 =	sadd.s32 s12, s13;
	[dreg:$0x18] =	wrdreg s25  }
0x26: {  	s12 =	sadd.s32 $0x5DC0, s17;
	s28 =	sadd.s32 s14, s13;
	[dreg:$0x19] =	wrdreg s26  }
0x27: {  	s6 =	sadd.s32 $0x11940, s17;
	s14 =	simm.s32 $0x9E80;
	[dreg:$0x1a] =	wrdreg s28  }
0x28: {  	s2 =	sadd.s32 $0x9C40, s17;
	[dreg:$0x1b] =	wrdreg s29;
	s8 =	simm.s32 $0xA180  }
0x29: {  	s18 =	simm.s32 $0x1;
	s19 =	simm.s32 $0x9D80;
	s20 =	simm.s32 $0x2  }
0x2a: {  	v1 =	vimm.f32 $0.0e+00;
	s21 =	simm.s32 $0x9F00;
	s22 =	simm.s32 $0x20;
	s24 =	simm.s32 $0x0  }
.LBB2_1:
0x2b: {  	s25 =	rddreg [dreg:$0x5]  }
0x2c: {  	[tilespmem:s1], [sflag:$0x3] =	stream.linear.gather [hbm4b:s25+s1], $0x4E20, $0x38;
	[tilespmem:$0x1F980] =	vst v63  }
0x2d: {  	_ =	swait.ge [sflag:s7], $0x4E20  }
0x2e: {  	[sflag:s7] =	ssyncset.done $0x0  }
0x2f: {  	s26 =	simm.s32 $0x4E80;
	s29 =	rddreg [dreg:$0x6];
	[sflag:s7] =	ssyncadd.s32 $0xFFFFB1E0  }
0x30: {  	[tilespmem:s26], [sflag:$0x3] =	stream.linear.gather [hbm4b:s29+s1], $0x4E20, $0x38;
	[tilespmem:$0x1F980] =	vst v63  }
0x31: {  	_ =	swait.ge [sflag:s7], $0x4E20  }
0x32: {  	[sflag:s7] =	ssyncset.done $0x0  }
0x33: {  	s25 =	simm.s32 $0x40;
	s26 =	simm.s32 $0x0;
	[sflag:s7] =	ssyncadd.s32 $0xFFFFB1E0  }
.LBB2_2:
0x34: {  	p0 =	sne.s32 s25, $0x7CC0;
	[tilespmem:s26+$0xA180] =	vst v1;
	s26 =	smov.u32 s25;
	s25 =	sadd.s32 $0x40, s25  }
.Ltmp0:
0x35: {  	(pc) =	sbr.rel @p0 .LBB2_2-.Ltmp0, $2  }
0x36: {  	_ =	sdelay $0x2  }
0x37: {  	s26 =	sshra.s32 s26, $0x2  }
0x38: {  	[tilespmem:s26+$0xA180] =	vst v1  }
0x39: {  	[spmem:s17] =	stream.linear.scatter [tilespmem:s8], [sflag:$0x3], $0x1F40, $0x38;
	[tilespmem:$0x1F980] =	vst v63  }
0x3a: {  	_ =	swait.ge [sflag:s7], $0x1F40  }
0x3b: {  	[sflag:s7] =	ssyncset.done $0x0  }
0x3c: {  	[sflag:s7] =	ssyncadd.s32 $0xFFFFE0C0  }
0x3d: {  	[spmem:s30] =	stream.linear.scatter [tilespmem:s8], [sflag:$0x3], $0x1F40, $0x38;
	[tilespmem:$0x1F980] =	vst v63  }
0x3e: {  	_ =	swait.ge [sflag:s7], $0x1F40  }
0x3f: {  	[sflag:s7] =	ssyncset.done $0x0  }
0x40: {  	[sflag:s7] =	ssyncadd.s32 $0xFFFFE0C0  }
0x41: {  	[spmem:s31] =	stream.linear.scatter [tilespmem:s8], [sflag:$0x3], $0x1F40, $0x38;
	[tilespmem:$0x1F980] =	vst v63  }
0x42: {  	_ =	swait.ge [sflag:s7], $0x1F40  }
0x43: {  	[sflag:s7] =	ssyncset.done $0x0  }
0x44: {  	[sflag:s7] =	ssyncadd.s32 $0xFFFFE0C0  }
0x45: {  	[spmem:s12] =	stream.linear.scatter [tilespmem:s8], [sflag:$0x3], $0x1F40, $0x38;
	[tilespmem:$0x1F980] =	vst v63  }
0x46: {  	_ =	swait.ge [sflag:s7], $0x1F40  }
0x47: {  	[sflag:s7] =	ssyncset.done $0x0  }
0x48: {  	[sflag:s7] =	ssyncadd.s32 $0xFFFFE0C0  }
0x49: {  	[spmem:s0] =	stream.linear.scatter [tilespmem:s8], [sflag:$0x3], $0x1F40, $0x38;
	[tilespmem:$0x1F980] =	vst v63  }
0x4a: {  	_ =	swait.ge [sflag:s7], $0x1F40  }
0x4b: {  	[sflag:s7] =	ssyncset.done $0x0  }
0x4c: {  	[sflag:s7] =	ssyncadd.s32 $0xFFFFE0C0  }
0x4d: {  	[spmem:s2] =	stream.linear.scatter [tilespmem:s8], [sflag:$0x3], $0x1F40, $0x38;
	[tilespmem:$0x1F980] =	vst v63  }
0x4e: {  	_ =	swait.ge [sflag:s7], $0x1F40  }
0x4f: {  	[sflag:s7] =	ssyncset.done $0x0  }
0x50: {  	[sflag:s7] =	ssyncadd.s32 $0xFFFFE0C0  }
0x51: {  	[spmem:s3] =	stream.linear.scatter [tilespmem:s8], [sflag:$0x3], $0x1F40, $0x38;
	[tilespmem:$0x1F980] =	vst v63  }
0x52: {  	_ =	swait.ge [sflag:s7], $0x1F40  }
0x53: {  	[sflag:s7] =	ssyncset.done $0x0  }
0x54: {  	[sflag:s7] =	ssyncadd.s32 $0xFFFFE0C0  }
0x55: {  	[spmem:s4] =	stream.linear.scatter [tilespmem:s8], [sflag:$0x3], $0x1F40, $0x38;
	[tilespmem:$0x1F980] =	vst v63  }
0x56: {  	_ =	swait.ge [sflag:s7], $0x1F40  }
0x57: {  	[sflag:s7] =	ssyncset.done $0x0  }
0x58: {  	[sflag:s7] =	ssyncadd.s32 $0xFFFFE0C0  }
0x59: {  	[spmem:s5] =	stream.linear.scatter [tilespmem:s8], [sflag:$0x3], $0x1F40, $0x38;
	[tilespmem:$0x1F980] =	vst v63  }
0x5a: {  	_ =	swait.ge [sflag:s7], $0x1F40  }
0x5b: {  	[sflag:s7] =	ssyncset.done $0x0  }
0x5c: {  	[sflag:s7] =	ssyncadd.s32 $0xFFFFE0C0  }
0x5d: {  	[spmem:s6] =	stream.linear.scatter [tilespmem:s8], [sflag:$0x3], $0x1F40, $0x38;
	[tilespmem:$0x1F980] =	vst v63  }
0x5e: {  	_ =	swait.ge [sflag:s7], $0x1F40  }
0x5f: {  	[sflag:s7] =	ssyncset.done $0x0  }
0x60: {  	[sflag:s7] =	ssyncadd.s32 $0xFFFFE0C0  }
0x61: {  	[bflag:$0x0] =	sbarrier.arrive $0xFFFF  }
0x62: {  	v2 =	vld [tilespmem:$0x0]  }
0x63: {  	v3 =	vld [tilespmem:$0x4E80]  }
0x64: {  	v4 =	vld [tilespmem:$0x10]  }
0x65: {  	v5 =	vld [tilespmem:$0x4E90]  }
0x66: {  	v6 =	vld [tilespmem:$0x20]  }
0x67: {  	v7 =	vld [tilespmem:$0x4EA0];
	v2 =	vshll.u32 v2, $0x7  }
0x68: {  	v2 =	vadd.s32 v3, v2;
	v3 =	vld [tilespmem:$0x30]  }
0x69: {  	v8 =	vld [tilespmem:$0x4EB0];
	v4 =	vshll.u32 v4, $0x7;
	[tilespmem:$0x9D80] =	vst v2;
	v2 =	vadd.s32 v0, v2  }
0x6a: {  	v56 =	vld [tilespmem:$0x40];
	[tilespmem:$0x9D00] =	vst v2;
	v2 =	vadd.s32 v5, v4  }
0x6b: {  	v58 =	vld [tilespmem:$0x4EC0];
	v57 =	vshll.u32 v6, $0x7;
	[tilespmem:$0x9D90] =	vst v2;
	v2 =	vadd.s32 v0, v2  }
0x6c: {  	v59 =	vld [tilespmem:$0x50];
	[tilespmem:$0x9D10] =	vst v2;
	v2 =	vadd.s32 v7, v57  }
0x6d: {  	v60 =	vld [tilespmem:$0x4ED0];
	[tilespmem:$0x9DA0] =	vst v2;
	v2 =	vadd.s32 v0, v2;
	v3 =	vshll.u32 v3, $0x7  }
0x6e: {  	[tilespmem:$0x9D20] =	vst v2;
	v2 =	vadd.s32 v8, v3;
	v3 =	vld [tilespmem:$0x60]  }
0x6f: {  	v61 =	vld [tilespmem:$0x4EE0];
	v4 =	vshll.u32 v56, $0x7;
	[tilespmem:$0x9DB0] =	vst v2;
	v2 =	vadd.s32 v0, v2  }
0x70: {  	v62 =	vld [tilespmem:$0x70];
	[tilespmem:$0x9D30] =	vst v2;
	v2 =	vadd.s32 v58, v4  }
0x71: {  	v63 =	vld [tilespmem:$0x4EF0];
	v5 =	vshll.u32 v59, $0x7;
	[tilespmem:$0x9DC0] =	vst v2;
	v2 =	vadd.s32 v0, v2  }
0x72: {  	[tilespmem:$0x9D40] =	vst v2;
	v2 =	vadd.s32 v60, v5  }
0x73: {  	[tilespmem:$0x9DD0] =	vst v2;
	v2 =	vadd.s32 v0, v2;
	v3 =	vshll.u32 v3, $0x7  }
0x74: {  	[tilespmem:$0x9D50] =	vst v2;
	v2 =	vadd.s32 v61, v3  }
0x75: {  	v3 =	vshll.u32 v62, $0x7;
	[tilespmem:$0x9DE0] =	vst v2;
	v2 =	vadd.s32 v0, v2  }
0x76: {  	[tilespmem:$0x9D60] =	vst v2;
	v2 =	vadd.s32 v63, v3  }
0x77: {  	[tilespmem:$0x9DF0] =	vst v2;
	v2 =	vadd.s32 v0, v2  }
0x78: {  	s25 =	simm.s32 $0x0;
	[tilespmem:$0x9D70] =	vst v2  }
0x79: {  	[tilespmem:s11], [sflag:$0x1] =	stream.indirect.gather [hbm4b:s16+s9], $0x1, s10, s9, $0xb8;
	[tilespmem:$0x1F980] =	vst v63  }
0x7a: {  	v2 =	vld [tilespmem:s25+$0x80]  }
0x7b: {  	v3 =	vld [tilespmem:s25+$0x4F00];
	_ =	sdelay $0x3  }
0x7c: {  	v2 =	vshll.u32 v2, $0x7  }
0x7d: {  	v2 =	vadd.s32 v3, v2  }
0x7e: {  	[tilespmem:$0x9F00] =	vst v2;
	v2 =	vadd.s32 v0, v2  }
0x7f: {  	[tilespmem:$0x9E80] =	vst v2  }
0x80: {  	v2 =	vld [tilespmem:s25+$0x90]  }
0x81: {  	v3 =	vld [tilespmem:s25+$0x4F10];
	_ =	sdelay $0x3  }
0x82: {  	v2 =	vshll.u32 v2, $0x7  }
0x83: {  	v2 =	vadd.s32 v3, v2  }
0x84: {  	[tilespmem:$0x9F10] =	vst v2;
	v2 =	vadd.s32 v0, v2  }
0x85: {  	[tilespmem:$0x9E90] =	vst v2  }
0x86: {  	v2 =	vld [tilespmem:s25+$0xA0]  }
0x87: {  	v3 =	vld [tilespmem:s25+$0x4F20];
	_ =	sdelay $0x3  }
0x88: {  	v2 =	vshll.u32 v2, $0x7  }
0x89: {  	v2 =	vadd.s32 v3, v2  }
0x8a: {  	[tilespmem:$0x9F20] =	vst v2;
	v2 =	vadd.s32 v0, v2  }
0x8b: {  	[tilespmem:$0x9EA0] =	vst v2  }
0x8c: {  	v2 =	vld [tilespmem:s25+$0xB0]  }
0x8d: {  	v3 =	vld [tilespmem:s25+$0x4F30];
	_ =	sdelay $0x3  }
0x8e: {  	v2 =	vshll.u32 v2, $0x7  }
0x8f: {  	v2 =	vadd.s32 v3, v2  }
0x90: {  	[tilespmem:$0x9F30] =	vst v2;
	v2 =	vadd.s32 v0, v2  }
0x91: {  	[tilespmem:$0x9EB0] =	vst v2  }
0x92: {  	v2 =	vld [tilespmem:s25+$0xC0]  }
0x93: {  	v3 =	vld [tilespmem:s25+$0x4F40];
	_ =	sdelay $0x3  }
0x94: {  	v2 =	vshll.u32 v2, $0x7  }
0x95: {  	v2 =	vadd.s32 v3, v2  }
0x96: {  	[tilespmem:$0x9F40] =	vst v2;
	v2 =	vadd.s32 v0, v2  }
0x97: {  	[tilespmem:$0x9EC0] =	vst v2  }
0x98: {  	v2 =	vld [tilespmem:s25+$0xD0]  }
0x99: {  	v3 =	vld [tilespmem:s25+$0x4F50];
	_ =	sdelay $0x3  }
0x9a: {  	v2 =	vshll.u32 v2, $0x7  }
0x9b: {  	v2 =	vadd.s32 v3, v2  }
0x9c: {  	[tilespmem:$0x9F50] =	vst v2;
	v2 =	vadd.s32 v0, v2  }
0x9d: {  	[tilespmem:$0x9ED0] =	vst v2  }
0x9e: {  	v2 =	vld [tilespmem:s25+$0xE0]  }
0x9f: {  	v3 =	vld [tilespmem:s25+$0x4F60];
	_ =	sdelay $0x3  }
0xa0: {  	v2 =	vshll.u32 v2, $0x7  }
0xa1: {  	v2 =	vadd.s32 v3, v2  }
0xa2: {  	[tilespmem:$0x9F60] =	vst v2;
	v2 =	vadd.s32 v0, v2  }
0xa3: {  	[tilespmem:$0x9EE0] =	vst v2  }
0xa4: {  	v2 =	vld [tilespmem:s25+$0xF0]  }
0xa5: {  	v3 =	vld [tilespmem:s25+$0x4F70];
	_ =	sdelay $0x3  }
0xa6: {  	v2 =	vshll.u32 v2, $0x7  }
0xa7: {  	v2 =	vadd.s32 v3, v2  }
0xa8: {  	[tilespmem:$0x9F70] =	vst v2;
	v2 =	vadd.s32 v0, v2  }
0xa9: {  	[tilespmem:$0x9EF0] =	vst v2  }
0xaa: {  	[tilespmem:s15], [sflag:$0x2] =	stream.indirect.gather [hbm4b:s16+s9], $0x1, s14, s9, $0xb8;
	[tilespmem:$0x1F980] =	vst v63  }
0xab: {  	_ =	swait.ge [sflag:s18], $0x80  }
0xac: {  	[sflag:s18] =	ssyncset.done $0x0  }
0xad: {  	[sflag:s18] =	ssyncadd.s32 $0xFFFFFF80  }
0xae: {  	[spmem:s13] =	stream.indirect.scatter.add.f32 [tilespmem:s11], [sflag:$0x3], $0x1, s19, s9, $0xb8;
	[tilespmem:$0x1F980] =	vst v63  }
0xaf: {  	_ =	swait.ge [sflag:s7], $0x80  }
0xb0: {  	[sflag:s7] =	ssyncset.done $0x0  }
0xb1: {  	[sflag:s7] =	ssyncadd.s32 $0xFFFFFF80  }
0xb2: {  	v2 =	vld [tilespmem:s25+$0x100]  }
0xb3: {  	v3 =	vld [tilespmem:s25+$0x4F80];
	_ =	sdelay $0x3  }
0xb4: {  	v2 =	vshll.u32 v2, $0x7  }
0xb5: {  	v2 =	vadd.s32 v3, v2  }
0xb6: {  	[tilespmem:$0x9D80] =	vst v2;
	v2 =	vadd.s32 v0, v2  }
0xb7: {  	[tilespmem:$0x9D00] =	vst v2  }
0xb8: {  	v2 =	vld [tilespmem:s25+$0x110]  }
0xb9: {  	v3 =	vld [tilespmem:s25+$0x4F90];
	_ =	sdelay $0x3  }
0xba: {  	v2 =	vshll.u32 v2, $0x7  }
0xbb: {  	v2 =	vadd.s32 v3, v2  }
0xbc: {  	[tilespmem:$0x9D90] =	vst v2;
	v2 =	vadd.s32 v0, v2  }
0xbd: {  	[tilespmem:$0x9D10] =	vst v2  }
0xbe: {  	v2 =	vld [tilespmem:s25+$0x120]  }
0xbf: {  	v3 =	vld [tilespmem:s25+$0x4FA0];
	_ =	sdelay $0x3  }
0xc0: {  	v2 =	vshll.u32 v2, $0x7  }
0xc1: {  	v2 =	vadd.s32 v3, v2  }
0xc2: {  	[tilespmem:$0x9DA0] =	vst v2;
	v2 =	vadd.s32 v0, v2  }
0xc3: {  	[tilespmem:$0x9D20] =	vst v2  }
0xc4: {  	v2 =	vld [tilespmem:s25+$0x130]  }
0xc5: {  	v3 =	vld [tilespmem:s25+$0x4FB0];
	_ =	sdelay $0x3  }
0xc6: {  	v2 =	vshll.u32 v2, $0x7  }
0xc7: {  	v2 =	vadd.s32 v3, v2  }
0xc8: {  	[tilespmem:$0x9DB0] =	vst v2;
	v2 =	vadd.s32 v0, v2  }
0xc9: {  	[tilespmem:$0x9D30] =	vst v2  }
0xca: {  	v2 =	vld [tilespmem:s25+$0x140]  }
0xcb: {  	v3 =	vld [tilespmem:s25+$0x4FC0];
	_ =	sdelay $0x3  }
0xcc: {  	v2 =	vshll.u32 v2, $0x7  }
0xcd: {  	v2 =	vadd.s32 v3, v2  }
0xce: {  	[tilespmem:$0x9DC0] =	vst v2;
	v2 =	vadd.s32 v0, v2  }
0xcf: {  	[tilespmem:$0x9D40] =	vst v2  }
0xd0: {  	v2 =	vld [tilespmem:s25+$0x150]  }
0xd1: {  	v3 =	vld [tilespmem:s25+$0x4FD0];
	_ =	sdelay $0x3  }
0xd2: {  	v2 =	vshll.u32 v2, $0x7  }
0xd3: {  	v2 =	vadd.s32 v3, v2  }
0xd4: {  	[tilespmem:$0x9DD0] =	vst v2;
	v2 =	vadd.s32 v0, v2  }
0xd5: {  	[tilespmem:$0x9D50] =	vst v2  }
0xd6: {  	v2 =	vld [tilespmem:s25+$0x160]  }
0xd7: {  	v3 =	vld [tilespmem:s25+$0x4FE0];
	_ =	sdelay $0x3  }
0xd8: {  	v2 =	vshll.u32 v2, $0x7  }
0xd9: {  	v2 =	vadd.s32 v3, v2  }
0xda: {  	[tilespmem:$0x9DE0] =	vst v2;
	v2 =	vadd.s32 v0, v2  }
0xdb: {  	[tilespmem:$0x9D60] =	vst v2  }
0xdc: {  	v2 =	vld [tilespmem:s25+$0x170]  }
0xdd: {  	v3 =	vld [tilespmem:s25+$0x4FF0];
	_ =	sdelay $0x3  }
0xde: {  	v2 =	vshll.u32 v2, $0x7  }
0xdf: {  	v2 =	vadd.s32 v3, v2  }
0xe0: {  	[tilespmem:$0x9DF0] =	vst v2;
	v2 =	vadd.s32 v0, v2  }
0xe1: {  	[tilespmem:$0x9D70] =	vst v2  }
0xe2: {  	[tilespmem:s11], [sflag:$0x1] =	stream.indirect.gather [hbm4b:s16+s9], $0x1, s10, s9, $0xb8;
	[tilespmem:$0x1F980] =	vst v63  }
0xe3: {  	_ =	swait.ge [sflag:s20], $0x80  }
0xe4: {  	[sflag:s20] =	ssyncset.done $0x0  }
0xe5: {  	[sflag:s20] =	ssyncadd.s32 $0xFFFFFF80  }
0xe6: {  	[spmem:s13] =	stream.indirect.scatter.add.f32 [tilespmem:s15], [sflag:$0x3], $0x1, s21, s9, $0xb8;
	[tilespmem:$0x1F980] =	vst v63  }
0xe7: {  	_ =	swait.ge [sflag:s7], $0x80  }
0xe8: {  	s26 =	simm.s32 $0x800;
	s25 =	simm.s32 $0x400;
	[sflag:s7] =	ssyncset.done $0x0  }
.LBB2_4:
0xe9: {  	s28 =	sshra.s32 s25, $0x2  }
0xea: {  	[sflag:s7] =	ssyncadd.s32 $0xFFFFFF80;
	s25 =	smov.u32 s26;
	s29 =	sadd.s32 $0x400, s26  }
0xeb: {  	p0 =	sne.s32 s26, $0x13000;
	v2 =	vld [tilespmem:s28+$0x80]  }
0xec: {  	v3 =	vld [tilespmem:s28+$0x4F00];
	_ =	sdelay $0x3  }
0xed: {  	v2 =	vshll.u32 v2, $0x7  }
0xee: {  	v2 =	vadd.s32 v3, v2  }
0xef: {  	[tilespmem:$0x9F00] =	vst v2;
	v2 =	vadd.s32 v0, v2  }
0xf0: {  	[tilespmem:$0x9E80] =	vst v2  }
0xf1: {  	v2 =	vld [tilespmem:s28+$0x90]  }
0xf2: {  	v3 =	vld [tilespmem:s28+$0x4F10];
	_ =	sdelay $0x3  }
0xf3: {  	v2 =	vshll.u32 v2, $0x7  }
0xf4: {  	v2 =	vadd.s32 v3, v2  }
0xf5: {  	[tilespmem:$0x9F10] =	vst v2;
	v2 =	vadd.s32 v0, v2  }
0xf6: {  	[tilespmem:$0x9E90] =	vst v2  }
0xf7: {  	v2 =	vld [tilespmem:s28+$0xA0]  }
0xf8: {  	v3 =	vld [tilespmem:s28+$0x4F20];
	_ =	sdelay $0x3  }
0xf9: {  	v2 =	vshll.u32 v2, $0x7  }
0xfa: {  	v2 =	vadd.s32 v3, v2  }
0xfb: {  	[tilespmem:$0x9F20] =	vst v2;
	v2 =	vadd.s32 v0, v2  }
0xfc: {  	[tilespmem:$0x9EA0] =	vst v2  }
0xfd: {  	v2 =	vld [tilespmem:s28+$0xB0]  }
0xfe: {  	v3 =	vld [tilespmem:s28+$0x4F30];
	_ =	sdelay $0x3  }
0xff: {  	v2 =	vshll.u32 v2, $0x7  }
0x100: {  	v2 =	vadd.s32 v3, v2  }
0x101: {  	[tilespmem:$0x9F30] =	vst v2;
	v2 =	vadd.s32 v0, v2  }
0x102: {  	[tilespmem:$0x9EB0] =	vst v2  }
0x103: {  	v2 =	vld [tilespmem:s28+$0xC0]  }
0x104: {  	v3 =	vld [tilespmem:s28+$0x4F40];
	_ =	sdelay $0x3  }
0x105: {  	v2 =	vshll.u32 v2, $0x7  }
0x106: {  	v2 =	vadd.s32 v3, v2  }
0x107: {  	[tilespmem:$0x9F40] =	vst v2;
	v2 =	vadd.s32 v0, v2  }
0x108: {  	[tilespmem:$0x9EC0] =	vst v2  }
0x109: {  	v2 =	vld [tilespmem:s28+$0xD0]  }
0x10a: {  	v3 =	vld [tilespmem:s28+$0x4F50];
	_ =	sdelay $0x3  }
0x10b: {  	v2 =	vshll.u32 v2, $0x7  }
0x10c: {  	v2 =	vadd.s32 v3, v2  }
0x10d: {  	[tilespmem:$0x9F50] =	vst v2;
	v2 =	vadd.s32 v0, v2  }
0x10e: {  	[tilespmem:$0x9ED0] =	vst v2  }
0x10f: {  	v2 =	vld [tilespmem:s28+$0xE0]  }
0x110: {  	v3 =	vld [tilespmem:s28+$0x4F60];
	_ =	sdelay $0x3  }
0x111: {  	v2 =	vshll.u32 v2, $0x7  }
0x112: {  	v2 =	vadd.s32 v3, v2  }
0x113: {  	[tilespmem:$0x9F60] =	vst v2;
	v2 =	vadd.s32 v0, v2  }
0x114: {  	[tilespmem:$0x9EE0] =	vst v2  }
0x115: {  	v2 =	vld [tilespmem:s28+$0xF0]  }
0x116: {  	v3 =	vld [tilespmem:s28+$0x4F70];
	_ =	sdelay $0x3  }
0x117: {  	v2 =	vshll.u32 v2, $0x7  }
0x118: {  	v2 =	vadd.s32 v3, v2  }
0x119: {  	[tilespmem:$0x9F70] =	vst v2;
	v2 =	vadd.s32 v0, v2  }
0x11a: {  	[tilespmem:$0x9EF0] =	vst v2  }
0x11b: {  	[tilespmem:s15], [sflag:$0x2] =	stream.indirect.gather [hbm4b:s16+s9], $0x1, s14, s9, $0xb8;
	[tilespmem:$0x1F980] =	vst v63  }
0x11c: {  	_ =	swait.ge [sflag:s18], $0x80  }
0x11d: {  	[sflag:s18] =	ssyncset.done $0x0  }
0x11e: {  	[sflag:s18] =	ssyncadd.s32 $0xFFFFFF80  }
0x11f: {  	[spmem:s13] =	stream.indirect.scatter.add.f32 [tilespmem:s11], [sflag:$0x3], $0x1, s19, s9, $0xb8;
	[tilespmem:$0x1F980] =	vst v63  }
0x120: {  	_ =	swait.ge [sflag:s7], $0x80  }
0x121: {  	[sflag:s7] =	ssyncset.done $0x0  }
0x122: {  	[sflag:s7] =	ssyncadd.s32 $0xFFFFFF80  }
0x123: {  	v2 =	vld [tilespmem:s28+$0x100]  }
0x124: {  	v3 =	vld [tilespmem:s28+$0x4F80];
	_ =	sdelay $0x3  }
0x125: {  	v2 =	vshll.u32 v2, $0x7  }
0x126: {  	v2 =	vadd.s32 v3, v2  }
0x127: {  	[tilespmem:$0x9D80] =	vst v2;
	v2 =	vadd.s32 v0, v2  }
0x128: {  	[tilespmem:$0x9D00] =	vst v2  }
0x129: {  	v2 =	vld [tilespmem:s28+$0x110]  }
0x12a: {  	v3 =	vld [tilespmem:s28+$0x4F90];
	_ =	sdelay $0x3  }
0x12b: {  	v2 =	vshll.u32 v2, $0x7  }
0x12c: {  	v2 =	vadd.s32 v3, v2  }
0x12d: {  	[tilespmem:$0x9D90] =	vst v2;
	v2 =	vadd.s32 v0, v2  }
0x12e: {  	[tilespmem:$0x9D10] =	vst v2  }
0x12f: {  	v2 =	vld [tilespmem:s28+$0x120]  }
0x130: {  	v3 =	vld [tilespmem:s28+$0x4FA0];
	_ =	sdelay $0x3  }
0x131: {  	v2 =	vshll.u32 v2, $0x7  }
0x132: {  	v2 =	vadd.s32 v3, v2  }
0x133: {  	[tilespmem:$0x9DA0] =	vst v2;
	v2 =	vadd.s32 v0, v2  }
0x134: {  	[tilespmem:$0x9D20] =	vst v2  }
0x135: {  	v2 =	vld [tilespmem:s28+$0x130]  }
0x136: {  	v3 =	vld [tilespmem:s28+$0x4FB0];
	_ =	sdelay $0x3  }
0x137: {  	v2 =	vshll.u32 v2, $0x7  }
0x138: {  	v2 =	vadd.s32 v3, v2  }
0x139: {  	[tilespmem:$0x9DB0] =	vst v2;
	v2 =	vadd.s32 v0, v2  }
0x13a: {  	[tilespmem:$0x9D30] =	vst v2  }
0x13b: {  	v2 =	vld [tilespmem:s28+$0x140]  }
0x13c: {  	v3 =	vld [tilespmem:s28+$0x4FC0];
	_ =	sdelay $0x3  }
0x13d: {  	v2 =	vshll.u32 v2, $0x7  }
0x13e: {  	v2 =	vadd.s32 v3, v2  }
0x13f: {  	[tilespmem:$0x9DC0] =	vst v2;
	v2 =	vadd.s32 v0, v2  }
0x140: {  	[tilespmem:$0x9D40] =	vst v2  }
0x141: {  	v2 =	vld [tilespmem:s28+$0x150]  }
0x142: {  	v3 =	vld [tilespmem:s28+$0x4FD0];
	_ =	sdelay $0x3  }
0x143: {  	v2 =	vshll.u32 v2, $0x7  }
0x144: {  	v2 =	vadd.s32 v3, v2  }
0x145: {  	[tilespmem:$0x9DD0] =	vst v2;
	v2 =	vadd.s32 v0, v2  }
0x146: {  	[tilespmem:$0x9D50] =	vst v2  }
0x147: {  	v2 =	vld [tilespmem:s28+$0x160]  }
0x148: {  	v3 =	vld [tilespmem:s28+$0x4FE0];
	_ =	sdelay $0x3  }
0x149: {  	v2 =	vshll.u32 v2, $0x7  }
0x14a: {  	v2 =	vadd.s32 v3, v2  }
0x14b: {  	[tilespmem:$0x9DE0] =	vst v2;
	v2 =	vadd.s32 v0, v2  }
0x14c: {  	[tilespmem:$0x9D60] =	vst v2  }
0x14d: {  	v2 =	vld [tilespmem:s28+$0x170]  }
0x14e: {  	v3 =	vld [tilespmem:s28+$0x4FF0];
	_ =	sdelay $0x3  }
0x14f: {  	v2 =	vshll.u32 v2, $0x7  }
0x150: {  	v2 =	vadd.s32 v3, v2  }
0x151: {  	[tilespmem:$0x9DF0] =	vst v2;
	v2 =	vadd.s32 v0, v2  }
0x152: {  	[tilespmem:$0x9D70] =	vst v2  }
0x153: {  	[tilespmem:s11], [sflag:$0x1] =	stream.indirect.gather [hbm4b:s16+s9], $0x1, s10, s9, $0xb8;
	[tilespmem:$0x1F980] =	vst v63  }
0x154: {  	_ =	swait.ge [sflag:s20], $0x80  }
.Ltmp1:
0x155: {  	[sflag:s20] =	ssyncset.done $0x0;
	(pc) =	sbr.rel @p0 .LBB2_4-.Ltmp1, $4  }
0x156: {  	[sflag:s20] =	ssyncadd.s32 $0xFFFFFF80  }
0x157: {  	[spmem:s13] =	stream.indirect.scatter.add.f32 [tilespmem:s15], [sflag:$0x3], $0x1, s21, s9, $0xb8;
	[tilespmem:$0x1F980] =	vst v63  }
0x158: {  	_ =	swait.ge [sflag:s7], $0x80  }
0x159: {  	s26 =	smov.u32 s29;
	[sflag:s7] =	ssyncset.done $0x0  }
0x15a: {  	s25 =	sshra.s32 s25, $0x2;
	[sflag:s7] =	ssyncadd.s32 $0xFFFFFF80  }
0x15b: {  	v2 =	vld [tilespmem:s25+$0x80]  }
0x15c: {  	v3 =	vld [tilespmem:s25+$0x4F00];
	_ =	sdelay $0x3  }
0x15d: {  	v2 =	vshll.u32 v2, $0x7  }
0x15e: {  	v2 =	vadd.s32 v3, v2  }
0x15f: {  	[tilespmem:$0x9F00] =	vst v2;
	v2 =	vadd.s32 v0, v2  }
0x160: {  	[tilespmem:$0x9E80] =	vst v2  }
0x161: {  	v2 =	vld [tilespmem:s25+$0x90]  }
0x162: {  	v3 =	vld [tilespmem:s25+$0x4F10];
	_ =	sdelay $0x3  }
0x163: {  	v2 =	vshll.u32 v2, $0x7  }
0x164: {  	v2 =	vadd.s32 v3, v2  }
0x165: {  	[tilespmem:$0x9F10] =	vst v2;
	v2 =	vadd.s32 v0, v2  }
0x166: {  	[tilespmem:$0x9E90] =	vst v2  }
0x167: {  	v2 =	vld [tilespmem:s25+$0xA0]  }
0x168: {  	v3 =	vld [tilespmem:s25+$0x4F20];
	_ =	sdelay $0x3  }
0x169: {  	v2 =	vshll.u32 v2, $0x7  }
0x16a: {  	v2 =	vadd.s32 v3, v2  }
0x16b: {  	[tilespmem:$0x9F20] =	vst v2;
	v2 =	vadd.s32 v0, v2  }
0x16c: {  	[tilespmem:$0x9EA0] =	vst v2  }
0x16d: {  	v2 =	vld [tilespmem:s25+$0xB0]  }
0x16e: {  	v3 =	vld [tilespmem:s25+$0x4F30];
	_ =	sdelay $0x3  }
0x16f: {  	v2 =	vshll.u32 v2, $0x7  }
0x170: {  	v2 =	vadd.s32 v3, v2  }
0x171: {  	[tilespmem:$0x9F30] =	vst v2;
	v2 =	vadd.s32 v0, v2  }
0x172: {  	[tilespmem:$0x9EB0] =	vst v2  }
0x173: {  	v2 =	vld [tilespmem:s25+$0xC0]  }
0x174: {  	v3 =	vld [tilespmem:s25+$0x4F40];
	_ =	sdelay $0x3  }
0x175: {  	v2 =	vshll.u32 v2, $0x7  }
0x176: {  	v2 =	vadd.s32 v3, v2  }
0x177: {  	[tilespmem:$0x9F40] =	vst v2;
	v2 =	vadd.s32 v0, v2  }
0x178: {  	[tilespmem:$0x9EC0] =	vst v2  }
0x179: {  	v2 =	vld [tilespmem:s25+$0xD0]  }
0x17a: {  	v3 =	vld [tilespmem:s25+$0x4F50];
	_ =	sdelay $0x3  }
0x17b: {  	v2 =	vshll.u32 v2, $0x7  }
0x17c: {  	v2 =	vadd.s32 v3, v2  }
0x17d: {  	[tilespmem:$0x9F50] =	vst v2;
	v2 =	vadd.s32 v0, v2  }
0x17e: {  	[tilespmem:$0x9ED0] =	vst v2  }
0x17f: {  	v2 =	vld [tilespmem:s25+$0xE0]  }
0x180: {  	v3 =	vld [tilespmem:s25+$0x4F60];
	_ =	sdelay $0x3  }
0x181: {  	v2 =	vshll.u32 v2, $0x7  }
0x182: {  	v2 =	vadd.s32 v3, v2  }
0x183: {  	[tilespmem:$0x9F60] =	vst v2;
	v2 =	vadd.s32 v0, v2  }
0x184: {  	[tilespmem:$0x9EE0] =	vst v2  }
0x185: {  	v2 =	vld [tilespmem:s25+$0xF0]  }
0x186: {  	v3 =	vld [tilespmem:s25+$0x4F70];
	_ =	sdelay $0x3  }
0x187: {  	v2 =	vshll.u32 v2, $0x7  }
0x188: {  	v2 =	vadd.s32 v3, v2  }
0x189: {  	[tilespmem:$0x9F70] =	vst v2;
	v2 =	vadd.s32 v0, v2  }
0x18a: {  	[tilespmem:$0x9EF0] =	vst v2  }
0x18b: {  	[tilespmem:s15], [sflag:$0x2] =	stream.indirect.gather [hbm4b:s16+s9], $0x1, s14, s9, $0xb8;
	[tilespmem:$0x1F980] =	vst v63  }
0x18c: {  	_ =	swait.ge [sflag:s18], $0x80  }
0x18d: {  	[sflag:s18] =	ssyncset.done $0x0  }
0x18e: {  	[sflag:s18] =	ssyncadd.s32 $0xFFFFFF80  }
0x18f: {  	[spmem:s13] =	stream.indirect.scatter.add.f32 [tilespmem:s11], [sflag:$0x3], $0x1, s19, s9, $0xb8;
	[tilespmem:$0x1F980] =	vst v63  }
0x190: {  	_ =	swait.ge [sflag:s7], $0x80  }
0x191: {  	[sflag:s7] =	ssyncset.done $0x0  }
0x192: {  	[sflag:s7] =	ssyncadd.s32 $0xFFFFFF80  }
0x193: {  	v2 =	vld [tilespmem:s25+$0x100]  }
0x194: {  	v3 =	vld [tilespmem:s25+$0x4F80];
	_ =	sdelay $0x3  }
0x195: {  	v2 =	vshll.u32 v2, $0x7  }
0x196: {  	v2 =	vadd.s32 v3, v2  }
0x197: {  	[tilespmem:$0x9D80] =	vst v2;
	v2 =	vadd.s32 v0, v2  }
0x198: {  	[tilespmem:$0x9D00] =	vst v2  }
0x199: {  	v2 =	vld [tilespmem:s25+$0x110]  }
0x19a: {  	v3 =	vld [tilespmem:s25+$0x4F90];
	_ =	sdelay $0x3  }
0x19b: {  	v2 =	vshll.u32 v2, $0x7  }
0x19c: {  	v2 =	vadd.s32 v3, v2  }
0x19d: {  	[tilespmem:$0x9D90] =	vst v2;
	v2 =	vadd.s32 v0, v2  }
0x19e: {  	[tilespmem:$0x9D10] =	vst v2  }
0x19f: {  	v2 =	vld [tilespmem:s25+$0x120]  }
0x1a0: {  	v3 =	vld [tilespmem:s25+$0x4FA0];
	_ =	sdelay $0x3  }
0x1a1: {  	v2 =	vshll.u32 v2, $0x7  }
0x1a2: {  	v2 =	vadd.s32 v3, v2  }
0x1a3: {  	[tilespmem:$0x9DA0] =	vst v2;
	v2 =	vadd.s32 v0, v2  }
0x1a4: {  	[tilespmem:$0x9D20] =	vst v2  }
0x1a5: {  	v2 =	vld [tilespmem:s25+$0x130]  }
0x1a6: {  	v3 =	vld [tilespmem:s25+$0x4FB0];
	_ =	sdelay $0x3  }
0x1a7: {  	v2 =	vshll.u32 v2, $0x7  }
0x1a8: {  	v2 =	vadd.s32 v3, v2  }
0x1a9: {  	[tilespmem:$0x9DB0] =	vst v2;
	v2 =	vadd.s32 v0, v2  }
0x1aa: {  	[tilespmem:$0x9D30] =	vst v2  }
0x1ab: {  	v2 =	vld [tilespmem:s25+$0x140]  }
0x1ac: {  	v3 =	vld [tilespmem:s25+$0x4FC0];
	_ =	sdelay $0x3  }
0x1ad: {  	v2 =	vshll.u32 v2, $0x7  }
0x1ae: {  	v2 =	vadd.s32 v3, v2  }
0x1af: {  	[tilespmem:$0x9DC0] =	vst v2;
	v2 =	vadd.s32 v0, v2  }
0x1b0: {  	[tilespmem:$0x9D40] =	vst v2  }
0x1b1: {  	v2 =	vld [tilespmem:s25+$0x150]  }
0x1b2: {  	v3 =	vld [tilespmem:s25+$0x4FD0];
	_ =	sdelay $0x3  }
0x1b3: {  	v2 =	vshll.u32 v2, $0x7  }
0x1b4: {  	v2 =	vadd.s32 v3, v2  }
0x1b5: {  	[tilespmem:$0x9DD0] =	vst v2;
	v2 =	vadd.s32 v0, v2  }
0x1b6: {  	[tilespmem:$0x9D50] =	vst v2  }
0x1b7: {  	v2 =	vld [tilespmem:s25+$0x160]  }
0x1b8: {  	v3 =	vld [tilespmem:s25+$0x4FE0];
	_ =	sdelay $0x3  }
0x1b9: {  	v2 =	vshll.u32 v2, $0x7  }
0x1ba: {  	v2 =	vadd.s32 v3, v2  }
0x1bb: {  	[tilespmem:$0x9DE0] =	vst v2;
	v2 =	vadd.s32 v0, v2  }
0x1bc: {  	[tilespmem:$0x9D60] =	vst v2  }
0x1bd: {  	v2 =	vld [tilespmem:s25+$0x170]  }
0x1be: {  	v3 =	vld [tilespmem:s25+$0x4FF0];
	_ =	sdelay $0x3  }
0x1bf: {  	v2 =	vshll.u32 v2, $0x7  }
0x1c0: {  	v2 =	vadd.s32 v3, v2  }
0x1c1: {  	[tilespmem:$0x9DF0] =	vst v2;
	v2 =	vadd.s32 v0, v2  }
0x1c2: {  	[tilespmem:$0x9D70] =	vst v2  }
0x1c3: {  	[tilespmem:s11], [sflag:$0x1] =	stream.indirect.gather [hbm4b:s16+s9], $0x1, s10, s9, $0xb8;
	[tilespmem:$0x1F980] =	vst v63  }
0x1c4: {  	_ =	swait.ge [sflag:s20], $0x80  }
0x1c5: {  	[sflag:s20] =	ssyncset.done $0x0  }
0x1c6: {  	[sflag:s20] =	ssyncadd.s32 $0xFFFFFF80  }
0x1c7: {  	[spmem:s13] =	stream.indirect.scatter.add.f32 [tilespmem:s15], [sflag:$0x3], $0x1, s21, s9, $0xb8;
	[tilespmem:$0x1F980] =	vst v63  }
0x1c8: {  	_ =	swait.ge [sflag:s7], $0x80  }
0x1c9: {  	[sflag:s7] =	ssyncset.done $0x0  }
0x1ca: {  	[sflag:s7] =	ssyncadd.s32 $0xFFFFFF80  }
0x1cb: {  	v2 =	vld [tilespmem:$0x4D80]  }
0x1cc: {  	v3 =	vld [tilespmem:$0x9C00]  }
0x1cd: {  	v4 =	vld [tilespmem:$0x4D90]  }
0x1ce: {  	v5 =	vld [tilespmem:$0x9C10]  }
0x1cf: {  	v6 =	vld [tilespmem:$0x4DA0]  }
0x1d0: {  	v7 =	vld [tilespmem:$0x9C20];
	v2 =	vshll.u32 v2, $0x7  }
0x1d1: {  	v2 =	vadd.s32 v3, v2;
	v3 =	vld [tilespmem:$0x4DB0]  }
0x1d2: {  	v8 =	vld [tilespmem:$0x9C30];
	v4 =	vshll.u32 v4, $0x7;
	[tilespmem:$0x9F00] =	vst v2;
	v2 =	vadd.s32 v0, v2  }
0x1d3: {  	v54 =	vld [tilespmem:$0x4DC0];
	[tilespmem:$0x9E80] =	vst v2;
	v2 =	vadd.s32 v5, v4  }
0x1d4: {  	v56 =	vld [tilespmem:$0x9C40];
	v55 =	vshll.u32 v6, $0x7;
	[tilespmem:$0x9F10] =	vst v2;
	v2 =	vadd.s32 v0, v2  }
0x1d5: {  	v57 =	vld [tilespmem:$0x4DD0];
	[tilespmem:$0x9E90] =	vst v2;
	v2 =	vadd.s32 v7, v55  }
0x1d6: {  	v58 =	vld [tilespmem:$0x9C50];
	[tilespmem:$0x9F20] =	vst v2;
	v2 =	vadd.s32 v0, v2;
	v3 =	vshll.u32 v3, $0x7  }
0x1d7: {  	[tilespmem:$0x9EA0] =	vst v2;
	v2 =	vadd.s32 v8, v3;
	v3 =	vld [tilespmem:$0x4DE0]  }
0x1d8: {  	v59 =	vld [tilespmem:$0x9C60];
	v4 =	vshll.u32 v54, $0x7;
	[tilespmem:$0x9F30] =	vst v2;
	v2 =	vadd.s32 v0, v2  }
0x1d9: {  	v60 =	vld [tilespmem:$0x4DF0];
	[tilespmem:$0x9EB0] =	vst v2;
	v2 =	vadd.s32 v56, v4  }
0x1da: {  	v61 =	vld [tilespmem:$0x9C70];
	v5 =	vshll.u32 v57, $0x7;
	[tilespmem:$0x9F40] =	vst v2;
	v2 =	vadd.s32 v0, v2  }
0x1db: {  	[tilespmem:$0x9EC0] =	vst v2;
	v2 =	vadd.s32 v58, v5  }
0x1dc: {  	[tilespmem:$0x9F50] =	vst v2;
	v2 =	vadd.s32 v0, v2;
	v3 =	vshll.u32 v3, $0x7  }
0x1dd: {  	[tilespmem:$0x9ED0] =	vst v2;
	v2 =	vadd.s32 v59, v3  }
0x1de: {  	v3 =	vshll.u32 v60, $0x7;
	[tilespmem:$0x9F60] =	vst v2;
	v2 =	vadd.s32 v0, v2  }
0x1df: {  	[tilespmem:$0x9EE0] =	vst v2;
	v2 =	vadd.s32 v61, v3  }
0x1e0: {  	[tilespmem:$0x9F70] =	vst v2;
	v2 =	vadd.s32 v0, v2  }
0x1e1: {  	[tilespmem:$0x9EF0] =	vst v2  }
0x1e2: {  	[tilespmem:s15], [sflag:$0x2] =	stream.indirect.gather [hbm4b:s16+s9], $0x1, s14, s9, $0xb8;
	[tilespmem:$0x1F980] =	vst v63  }
0x1e3: {  	_ =	swait.ge [sflag:s18], $0x80  }
0x1e4: {  	[sflag:s18] =	ssyncset.done $0x0  }
0x1e5: {  	[sflag:s18] =	ssyncadd.s32 $0xFFFFFF80  }
0x1e6: {  	[spmem:s13] =	stream.indirect.scatter.add.f32 [tilespmem:s11], [sflag:$0x3], $0x1, s19, s9, $0xb8;
	[tilespmem:$0x1F980] =	vst v63  }
0x1e7: {  	_ =	swait.ge [sflag:s7], $0x80  }
0x1e8: {  	[sflag:s7] =	ssyncset.done $0x0  }
0x1e9: {  	[sflag:s7] =	ssyncadd.s32 $0xFFFFFF80  }
0x1ea: {  	v2 =	vld [tilespmem:$0x4E00]  }
0x1eb: {  	v3 =	vld [tilespmem:$0x9C80]  }
0x1ec: {  	v62 =	vld [tilespmem:$0x4E10]  }
0x1ed: {  	v63 =	vld [tilespmem:$0x9C90];
	_ =	sdelay $0x1  }
0x1ee: {  	v2 =	vshll.u32 v2, $0x7  }
0x1ef: {  	v2 =	vadd.s32 v3, v2  }
0x1f0: {  	v3 =	vshll.u32 v62, $0x7;
	[tilespmem:$0xA080] =	vst v2;
	v2 =	vadd.s32 v0, v2  }
0x1f1: {  	[tilespmem:$0xA000] =	vst v2;
	v2 =	vadd.s32 v63, v3  }
0x1f2: {  	[tilespmem:$0xA090] =	vst v2;
	v2 =	vadd.s32 v0, v2  }
0x1f3: {  	s28 =	simm.s32 $0xA000;
	[tilespmem:$0xA010] =	vst v2  }
0x1f4: {  	[tilespmem:s23], [sflag:$0x1] =	stream.indirect.gather [hbm4b:s16+s22], $0x1, s28, s22, $0xb8;
	[tilespmem:$0x1F980] =	vst v63  }
0x1f5: {  	_ =	swait.ge [sflag:s20], $0x80  }
0x1f6: {  	[sflag:s20] =	ssyncset.done $0x0  }
0x1f7: {  	[sflag:s20] =	ssyncadd.s32 $0xFFFFFF80  }
0x1f8: {  	[spmem:s13] =	stream.indirect.scatter.add.f32 [tilespmem:s15], [sflag:$0x3], $0x1, s21, s9, $0xb8;
	[tilespmem:$0x1F980] =	vst v63  }
0x1f9: {  	_ =	swait.ge [sflag:s7], $0x80  }
0x1fa: {  	[sflag:s7] =	ssyncset.done $0x0  }
0x1fb: {  	[sflag:s7] =	ssyncadd.s32 $0xFFFFFF80  }
0x1fc: {  	_ =	swait.ge [sflag:s18], $0x20  }
0x1fd: {  	[sflag:s18] =	ssyncset.done $0x0  }
0x1fe: {  	s29 =	simm.s32 $0xA080;
	[sflag:s18] =	ssyncadd.s32 $0xFFFFFFE0  }
0x1ff: {  	[spmem:s13] =	stream.indirect.scatter.add.f32 [tilespmem:s23], [sflag:$0x3], $0x1, s29, s22, $0xb8;
	[tilespmem:$0x1F980] =	vst v63  }
0x200: {  	_ =	swait.ge [sflag:s7], $0x20  }
0x201: {  	[sflag:s7] =	ssyncset.done $0x0  }
0x202: {  	[sflag:s7] =	ssyncadd.s32 $0xFFFFFFE0  }
0x203: {  	[bflag:$0x0] =	sbarrier.arrive $0xFFFF  }
0x204: {  	s26 =	rddreg [dreg:$0x11]  }
0x205: {  	[tilespmem:s8], [sflag:$0x3] =	stream.linear.gather [spmem:s26], $0x1F40, $0x38;
	[tilespmem:$0x1F980] =	vst v63  }
0x206: {  	_ =	swait.ge [sflag:s7], $0x1F40  }
0x207: {  	[sflag:s7] =	ssyncset.done $0x0  }
0x208: {  	s28 =	rddreg [dreg:$0x7];
	[sflag:s7] =	ssyncadd.s32 $0xFFFFE0C0  }
0x209: {  	[hbm4b:s28+s1] =	stream.linear.scatter [tilespmem:s8], [sflag:$0x3], $0x1F40, $0x38;
	[tilespmem:$0x1F980] =	vst v63  }
0x20a: {  	_ =	swait.ge [sflag:s7], $0x1F40  }
0x20b: {  	[sflag:s7] =	ssyncset.done $0x0  }
0x20c: {  	s29 =	rddreg [dreg:$0x13];
	[sflag:s7] =	ssyncadd.s32 $0xFFFFE0C0  }
0x20d: {  	[tilespmem:s8], [sflag:$0x3] =	stream.linear.gather [spmem:s29], $0x1F40, $0x38;
	[tilespmem:$0x1F980] =	vst v63  }
0x20e: {  	_ =	swait.ge [sflag:s7], $0x1F40  }
0x20f: {  	[sflag:s7] =	ssyncset.done $0x0  }
0x210: {  	s26 =	rddreg [dreg:$0x8];
	[sflag:s7] =	ssyncadd.s32 $0xFFFFE0C0  }
0x211: {  	[hbm4b:s26+s1] =	stream.linear.scatter [tilespmem:s8], [sflag:$0x3], $0x1F40, $0x38;
	[tilespmem:$0x1F980] =	vst v63  }
0x212: {  	_ =	swait.ge [sflag:s7], $0x1F40  }
0x213: {  	[sflag:s7] =	ssyncset.done $0x0  }
0x214: {  	s28 =	rddreg [dreg:$0x14];
	[sflag:s7] =	ssyncadd.s32 $0xFFFFE0C0  }
0x215: {  	[tilespmem:s8], [sflag:$0x3] =	stream.linear.gather [spmem:s28], $0x1F40, $0x38;
	[tilespmem:$0x1F980] =	vst v63  }
0x216: {  	_ =	swait.ge [sflag:s7], $0x1F40  }
0x217: {  	[sflag:s7] =	ssyncset.done $0x0  }
0x218: {  	s29 =	rddreg [dreg:$0x9];
	[sflag:s7] =	ssyncadd.s32 $0xFFFFE0C0  }
0x219: {  	[hbm4b:s29+s1] =	stream.linear.scatter [tilespmem:s8], [sflag:$0x3], $0x1F40, $0x38;
	[tilespmem:$0x1F980] =	vst v63  }
0x21a: {  	_ =	swait.ge [sflag:s7], $0x1F40  }
0x21b: {  	[sflag:s7] =	ssyncset.done $0x0  }
0x21c: {  	s26 =	rddreg [dreg:$0x15];
	[sflag:s7] =	ssyncadd.s32 $0xFFFFE0C0  }
0x21d: {  	[tilespmem:s8], [sflag:$0x3] =	stream.linear.gather [spmem:s26], $0x1F40, $0x38;
	[tilespmem:$0x1F980] =	vst v63  }
0x21e: {  	_ =	swait.ge [sflag:s7], $0x1F40  }
0x21f: {  	[sflag:s7] =	ssyncset.done $0x0  }
0x220: {  	s28 =	rddreg [dreg:$0xa];
	[sflag:s7] =	ssyncadd.s32 $0xFFFFE0C0  }
0x221: {  	[hbm4b:s28+s1] =	stream.linear.scatter [tilespmem:s8], [sflag:$0x3], $0x1F40, $0x38;
	[tilespmem:$0x1F980] =	vst v63  }
0x222: {  	_ =	swait.ge [sflag:s7], $0x1F40  }
0x223: {  	[sflag:s7] =	ssyncset.done $0x0  }
0x224: {  	s29 =	rddreg [dreg:$0x16];
	[sflag:s7] =	ssyncadd.s32 $0xFFFFE0C0  }
0x225: {  	[tilespmem:s8], [sflag:$0x3] =	stream.linear.gather [spmem:s29], $0x1F40, $0x38;
	[tilespmem:$0x1F980] =	vst v63  }
0x226: {  	_ =	swait.ge [sflag:s7], $0x1F40  }
0x227: {  	[sflag:s7] =	ssyncset.done $0x0  }
0x228: {  	s26 =	rddreg [dreg:$0xb];
	[sflag:s7] =	ssyncadd.s32 $0xFFFFE0C0  }
0x229: {  	[hbm4b:s26+s1] =	stream.linear.scatter [tilespmem:s8], [sflag:$0x3], $0x1F40, $0x38;
	[tilespmem:$0x1F980] =	vst v63  }
0x22a: {  	_ =	swait.ge [sflag:s7], $0x1F40  }
0x22b: {  	[sflag:s7] =	ssyncset.done $0x0  }
0x22c: {  	s28 =	rddreg [dreg:$0x17];
	[sflag:s7] =	ssyncadd.s32 $0xFFFFE0C0  }
0x22d: {  	[tilespmem:s8], [sflag:$0x3] =	stream.linear.gather [spmem:s28], $0x1F40, $0x38;
	[tilespmem:$0x1F980] =	vst v63  }
0x22e: {  	_ =	swait.ge [sflag:s7], $0x1F40  }
0x22f: {  	[sflag:s7] =	ssyncset.done $0x0  }
0x230: {  	s29 =	rddreg [dreg:$0xc];
	[sflag:s7] =	ssyncadd.s32 $0xFFFFE0C0  }
0x231: {  	[hbm4b:s29+s1] =	stream.linear.scatter [tilespmem:s8], [sflag:$0x3], $0x1F40, $0x38;
	[tilespmem:$0x1F980] =	vst v63  }
0x232: {  	_ =	swait.ge [sflag:s7], $0x1F40  }
0x233: {  	[sflag:s7] =	ssyncset.done $0x0  }
0x234: {  	s26 =	rddreg [dreg:$0x18];
	[sflag:s7] =	ssyncadd.s32 $0xFFFFE0C0  }
0x235: {  	[tilespmem:s8], [sflag:$0x3] =	stream.linear.gather [spmem:s26], $0x1F40, $0x38;
	[tilespmem:$0x1F980] =	vst v63  }
0x236: {  	_ =	swait.ge [sflag:s7], $0x1F40  }
0x237: {  	[sflag:s7] =	ssyncset.done $0x0  }
0x238: {  	s28 =	rddreg [dreg:$0xd];
	[sflag:s7] =	ssyncadd.s32 $0xFFFFE0C0  }
0x239: {  	[hbm4b:s28+s1] =	stream.linear.scatter [tilespmem:s8], [sflag:$0x3], $0x1F40, $0x38;
	[tilespmem:$0x1F980] =	vst v63  }
0x23a: {  	_ =	swait.ge [sflag:s7], $0x1F40  }
0x23b: {  	[sflag:s7] =	ssyncset.done $0x0  }
0x23c: {  	s29 =	rddreg [dreg:$0x19];
	[sflag:s7] =	ssyncadd.s32 $0xFFFFE0C0  }
0x23d: {  	[tilespmem:s8], [sflag:$0x3] =	stream.linear.gather [spmem:s29], $0x1F40, $0x38;
	[tilespmem:$0x1F980] =	vst v63  }
0x23e: {  	_ =	swait.ge [sflag:s7], $0x1F40  }
0x23f: {  	[sflag:s7] =	ssyncset.done $0x0  }
0x240: {  	s26 =	rddreg [dreg:$0xe];
	[sflag:s7] =	ssyncadd.s32 $0xFFFFE0C0  }
0x241: {  	[hbm4b:s26+s1] =	stream.linear.scatter [tilespmem:s8], [sflag:$0x3], $0x1F40, $0x38;
	[tilespmem:$0x1F980] =	vst v63  }
0x242: {  	_ =	swait.ge [sflag:s7], $0x1F40  }
0x243: {  	[sflag:s7] =	ssyncset.done $0x0  }
0x244: {  	s28 =	rddreg [dreg:$0x1a];
	[sflag:s7] =	ssyncadd.s32 $0xFFFFE0C0  }
0x245: {  	[tilespmem:s8], [sflag:$0x3] =	stream.linear.gather [spmem:s28], $0x1F40, $0x38;
	[tilespmem:$0x1F980] =	vst v63  }
0x246: {  	_ =	swait.ge [sflag:s7], $0x1F40  }
0x247: {  	[sflag:s7] =	ssyncset.done $0x0  }
0x248: {  	s29 =	rddreg [dreg:$0xf];
	[sflag:s7] =	ssyncadd.s32 $0xFFFFE0C0  }
0x249: {  	[hbm4b:s29+s1] =	stream.linear.scatter [tilespmem:s8], [sflag:$0x3], $0x1F40, $0x38;
	[tilespmem:$0x1F980] =	vst v63  }
0x24a: {  	_ =	swait.ge [sflag:s7], $0x1F40  }
0x24b: {  	[sflag:s7] =	ssyncset.done $0x0  }
0x24c: {  	s26 =	rddreg [dreg:$0x1b];
	[sflag:s7] =	ssyncadd.s32 $0xFFFFE0C0  }
0x24d: {  	[tilespmem:s8], [sflag:$0x3] =	stream.linear.gather [spmem:s26], $0x1F40, $0x38;
	[tilespmem:$0x1F980] =	vst v63  }
0x24e: {  	_ =	swait.ge [sflag:s7], $0x1F40  }
0x24f: {  	[sflag:s7] =	ssyncset.done $0x0  }
0x250: {  	s28 =	rddreg [dreg:$0x10];
	[sflag:s7] =	ssyncadd.s32 $0xFFFFE0C0  }
0x251: {  	[hbm4b:s28+s1] =	stream.linear.scatter [tilespmem:s8], [sflag:$0x3], $0x1F40, $0x38;
	[tilespmem:$0x1F980] =	vst v63  }
0x252: {  	_ =	swait.ge [sflag:s7], $0x1F40  }
0x253: {  	s24 =	sadd.s32 $0x1, s24;
	s29 =	rddreg [dreg:$0x12]  }
0x254: {  	p0 =	sne.s32 s24, s29  }
.Ltmp2:
0x255: {  	_ = 	snop;
	(pc) =	sbr.rel @p0 .LBB2_1-.Ltmp2, $3  }
0x256: {  	_ =	sdelay $0x1  }
0x257: {  	[sflag:s7] =	ssyncset.done $0x0  }
0x258: {  	[sflag:s7] =	ssyncadd.s32 $0xFFFFE0C0  }
0x259: {  	_ =	sfence.sel $0x180000  }
0x25a: {  	[bflag:$0x0] =	sbarrier.arrive $0xFFFF  }
0x25b: {  	_ =	strace $0x90000047  }
0x25c: {  	s0 =	stileid.u32;
	[bflag:$0x2] =	sbarrier.arrive $0xFFFF  }
0x25d: {  	p0 =	sne.s32 s0, $0x0;
	s0 =	rddreg [dreg:$0x4]  }
0x25e: {  	s0 =	sadd.s32 @!p0 $0x100000, s0  }
0x25f: {  	[sflag:s0] =	ssyncadd.tile.s32 @!p0 $0x1;
	_ =	shalt  }
.Lfunc_end2:
_tile_overlayer_lowered:
.L_overlay_start_2:
0x260: {  	(tag) =	ssettag $0x2  }
0x261: {  	s0 =	rddreg [dreg:$0x0];
	s2 =	stileid.u32  }
0x262: {  	s1 =	rddreg [dreg:$0x1];
	p0 =	sne.s32 s2, $0x0  }
0x263: {  	s3 =	rddreg [dreg:$0x2];
	[bflag:$0x3] =	sbarrier.arrive $0xFFFF;
	s2 =	simm.s32 @!p0 $0x1C03  }
0x264: {  	[timem:s3], [sflag:s2] =	dma.local @!p0 [hbm:s0], s1  }
0x265: {  	s0 =	simm.s32 @!p0 $0x3  }
0x266: {  	_ =	swait.ge @!p0 [sflag:s0], s1  }
0x267: {  	s1 =	ssub.s32 @!p0 $0x0, s1;
	[sflag:s0] =	ssyncset.done @!p0 $0x0  }
0x268: {  	[sflag:s0] =	ssyncadd.s32 @!p0 s1  }
0x269: {  	[bflag:$0x3] =	sbarrier.arrive $0xFFFF  }
0x26a: {  	_ =	shalt  }

</sc_bundles>
